<compile_context>
chip_gen: v7x
topology: tpu7x:2x2x1
jax: 0.10.2.dev20260603
libtpu: 0.0.44.dev20260713+nightly
codegen_flags: <defaults>
</compile_context>

<pallas_src>
import functools

import jax
import jax.numpy as jnp
from jax import lax
from jax.experimental import pallas as pl
from jax.experimental.pallas import tpu as pltpu
from jax.experimental.pallas import tpu_sc as plsc

_NEG = float("-inf")



def _scan_body(C, D, k_axis, words_ref, cm_ref, carry_ref):
    k = pl.program_id(k_axis)

    @pl.when(k == 0)
    def _():
        carry_ref[...] = jnp.full((1, D), _NEG, jnp.bfloat16)

    x = words_ref[0].astype(jnp.bfloat16)
    sh = 1
    while sh < C:
        pad = jnp.full((sh, D), _NEG, jnp.bfloat16)
        x = jnp.maximum(x, jnp.concatenate([pad, x[:-sh]], axis=0))
        sh *= 2
    x = jnp.maximum(x, carry_ref[...])
    carry_ref[...] = x[C - 1:C]
    Dh = D // 2
    a = jax.lax.bitcast_convert_type(x[:, :Dh], jnp.uint16).astype(jnp.uint32)
    b = jax.lax.bitcast_convert_type(x[:, Dh:], jnp.uint16).astype(jnp.uint32)
    packed = a | (b << 16)
    cm_ref[0] = jax.lax.bitcast_convert_type(packed, jnp.int32)


def _tc_prefix_max_all(words, C):
    B, N, D = words.shape
    K = N // C
    return pl.pallas_call(
        functools.partial(_scan_body, C, D, 1),
        grid=(B, K),
        in_specs=[pl.BlockSpec((1, C, D), lambda b, k: (b, k, 0))],
        out_specs=pl.BlockSpec((1, C, D // 2), lambda b, k: (b, k, 0)),
        out_shape=jax.ShapeDtypeStruct((B, N, D // 2), jnp.int32),
        scratch_shapes=[pltpu.VMEM((1, D), jnp.bfloat16)],
        compiler_params=pltpu.CompilerParams(
            dimension_semantics=("arbitrary", "arbitrary")),
    )(words)



def _sc_gather(cm_flat, idx_flat, n_words, G=128):
    M, Dh = cm_flat.shape
    T = idx_flat.shape[0]
    info = plsc.get_sparse_core_info()
    NW = info.num_cores * info.num_subcores
    rpw = T // NW
    wpb = NW * n_words // M
    mesh = plsc.VectorSubcoreMesh(core_axis_name="c", subcore_axis_name="s")

    nchunk = rpw // G

    @functools.partial(
        pl.kernel, mesh=mesh,
        out_type=jax.ShapeDtypeStruct((T, Dh), jnp.int32),
        scratch_types=[
            pltpu.VMEM((nchunk, G), jnp.int32),
            [pltpu.VMEM((G, Dh), jnp.int32) for _ in range(nchunk)],
            pltpu.SemaphoreType.DMA,
            pltpu.SemaphoreType.DMA,
        ],
    )
    def k(cm_hbm, idx_hbm, out_hbm, idx_v, rows, gsem, wsem):
        wid = lax.axis_index("s") * info.num_cores + lax.axis_index("c")
        base = wid * rpw
        row_off = (wid // wpb) * n_words

        for c in range(nchunk):
            pltpu.sync_copy(idx_hbm.at[pl.ds(base + c * G, G)], idx_v.at[c])
        for c in range(nchunk):
            for v in range(G // 16):
                sl = pl.ds(v * 16, 16)
                idx_v[c, sl] = jnp.clip(idx_v[c, sl], 0, n_words - 1) + row_off
        gathers = [
            pltpu.async_copy(cm_hbm.at[idx_v.at[c]], rows[c], gsem)
            for c in range(nchunk)
        ]
        writes = []
        for c in range(nchunk):
            gathers[c].wait()
            writes.append(pltpu.async_copy(
                rows[c], out_hbm.at[pl.ds(base + c * G, G)], wsem))
        for w in writes:
            w.wait()

    return k(cm_flat, idx_flat)



def _mix_body(rows_ref, labels_ref, table_ref, out_ref):
    p = jax.lax.bitcast_convert_type(rows_ref[...], jnp.uint32)
    lo = jax.lax.bitcast_convert_type(p << 16, jnp.float32)
    hi = jax.lax.bitcast_convert_type(p & jnp.uint32(0xFFFF0000), jnp.float32)
    mm = jnp.dot(labels_ref[...], table_ref[...],
                 preferred_element_type=jnp.float32)
    out_ref[...] = jnp.concatenate([lo, hi], axis=1) + mm


def _tc_label_mix(rows_flat, labels_flat, table, R=4096):
    T, Dh = rows_flat.shape
    D = 2 * Dh
    L = table.shape[0]
    return pl.pallas_call(
        _mix_body,
        grid=(T // R,),
        in_specs=[
            pl.BlockSpec((R, Dh), lambda i: (i, 0)),
            pl.BlockSpec((R, L), lambda i: (i, 0)),
            pl.BlockSpec((L, D), lambda i: (0, 0)),
        ],
        out_specs=pl.BlockSpec((R, D), lambda i: (i, 0)),
        out_shape=jax.ShapeDtypeStruct((T, D), jnp.float32),
    )(rows_flat, labels_flat, table)



def kernel(words_embed, spans_begin, spans_end, spans_label, label_embedding):
    B, N, D = words_embed.shape
    _, S, L = spans_label.shape
    T = B * S
    idx_all = spans_end.reshape(T)
    labels_flat = spans_label.reshape(T, L)

    cm = _tc_prefix_max_all(words_embed, C=2048)
    gathered = _sc_gather(cm.reshape(B * N, D // 2), idx_all, N)
    pooled = _tc_label_mix(gathered, labels_flat, label_embedding)
    return pooled.reshape(B, S, D)

# --- scband reference (transcript-rebuilt; emitter-appended) ---
"""Pipeline reference for scband-span-embedding-23295902614207 (READ-ONLY COPY).

The authoritative reference and input builder live on the scoring server;
editing this copy changes nothing except your own understanding.
"""

import jax, jax.numpy as jnp
import numpy as np

B, N, D = 4, 8192, 768
S, L = 2048, 32

def setup_inputs(seed: int = 0) -> dict:
    key = jax.random.key(seed)
    k1, k2, k3, k4 = jax.random.split(key, 4)
    words_embed = jax.random.normal(k1, (B, N, D), dtype=jnp.float32)
    # spans_begin is all zeros by construction so every span [begin, end+1) is non-empty
    spans_begin = jnp.zeros((B, S), dtype=jnp.int32)
    spans_end = jax.random.randint(k2, (B, S), 0, N).astype(jnp.int32)
    spans_label = jax.random.uniform(k3, (B, S, L), dtype=jnp.float32)
    # learned parameter: label embedding table [n_labels, input_size]
    label_embedding = jax.random.normal(k4, (L, D), dtype=jnp.float32)
    return {
        'words_embed': words_embed,
        'spans_begin': spans_begin,
        'spans_end': spans_end,
        'spans_label': spans_label,
        'label_embedding': label_embedding,
    }

def reference(words_embed, spans_begin, spans_end, spans_label, label_embedding):
    # Pooler(mode='max') over spans [begin, end+1).
    # spans_begin == 0 for all spans by construction, so the masked max over the
    # span equals the running (prefix) max evaluated at index `end`.
    n_words = words_embed.shape[1]
    cm = jax.lax.associative_scan(jnp.maximum, words_embed, axis=1)  # prefix max over words
    idx = jnp.clip(spans_end, 0, n_words - 1)
    pooled = jnp.take_along_axis(cm, idx[:, :, None], axis=1)  # [B, S, D]
    # label embedding mixing: einsum('ld,...l->...d', table, spans_label)
    label_embeds = jnp.einsum('ld,bsl->bsd', label_embedding, spans_label.astype(jnp.float32))
    # eval mode: no label dropout
    pooled = pooled + label_embeds
    return pooled

if __name__ == "__main__":
    import jax
    _d = setup_inputs()
    print(jax.jit(kernel)(*tuple(_d.values())))

</pallas_src>

<mosaic_0001>
#map = affine_map<(d0, d1) -> (0, 0)>
#map1 = affine_map<(d0, d1) -> (0)>
module attributes {stable_mosaic.version = 14 : i64} {
  func.func @k(%arg0: i32, %arg1: i32, %arg2: memref<32768x384xi32, #tpu.memory_space<hbm>>, %arg3: memref<8192xi32, #tpu.memory_space<hbm>>, %arg4: memref<8192x384xi32, #tpu.memory_space<hbm>>, %arg5: memref<2x128xi32, #tpu.memory_space<vmem>>, %arg6: memref<128x384xi32, #tpu.memory_space<vmem>>, %arg7: memref<128x384xi32, #tpu.memory_space<vmem>>, %arg8: memref<!tpu.dma_semaphore, #tpu.memory_space<semaphore_mem>>, %arg9: memref<!tpu.dma_semaphore, #tpu.memory_space<semaphore_mem>>) attributes {dimension_semantics = [#tpu.dimension_semantics<core_parallel>, #tpu.dimension_semantics<subcore_parallel>], iteration_bounds = array<i64: 2, 16>, scalar_prefetch = 0 : i64, scratch_operands = 5 : i64, tpu.core_type = #tpu.core_type<sc_vector_subcore>, window_params = [{transform_indices = #map}, {transform_indices = #map1}, {transform_indices = #map}]} {
    %mul3A = arith.constant 2 : i32
    %mul3A_0 = arith.muli %arg1, %mul3A : i32
    %add3A = arith.addi %mul3A_0, %arg0 : i32
    %mul3A_1 = arith.constant 256 : i32
    %mul3A_2 = arith.muli %add3A, %mul3A_1 : i32
    %jit3A = arith.constant 8 : i32
    %div3A = arith.divsi %add3A, %jit3A : i32
    %sign3A = arith.constant 0 : i32
    %sign3A_3 = arith.cmpi sgt, %add3A, %sign3A : i32
    %sign3A_4 = arith.extui %sign3A_3 : i1 to i32
    %sign3A_5 = arith.constant 0 : i32
    %sign3A_6 = arith.cmpi slt, %add3A, %sign3A_5 : i32
    %sign3A_7 = arith.extui %sign3A_6 : i1 to i32
    %sign3A_8 = arith.subi %sign3A_4, %sign3A_7 : i32
    %sign3A_9 = arith.constant 0 : i32
    %sign3A_10 = arith.cmpi sgt, %jit3A, %sign3A_9 : i32
    %sign3A_11 = arith.extui %sign3A_10 : i1 to i32
    %sign3A_12 = arith.constant 0 : i32
    %sign3A_13 = arith.cmpi slt, %jit3A, %sign3A_12 : i32
    %sign3A_14 = arith.extui %sign3A_13 : i1 to i32
    %sign3A_15 = arith.subi %sign3A_11, %sign3A_14 : i32
    %ne3A = arith.cmpi ne, %sign3A_8, %sign3A_15 : i32
    %rem3A = arith.remsi %add3A, %jit3A : i32
    %ne3A_16 = arith.constant 0 : i32
    %ne3A_17 = arith.cmpi ne, %rem3A, %ne3A_16 : i32
    %and3A = arith.andi %ne3A, %ne3A_17 : i1
    %sub3A = arith.constant 1 : i32
    %sub3A_18 = arith.subi %div3A, %sub3A : i32
    %select_n3A = arith.select %and3A, %sub3A_18, %div3A : i32
    %mul3A_19 = arith.constant 8192 : i32
    %mul3A_20 = arith.muli %select_n3A, %mul3A_19 : i32
    %add3A_21 = arith.constant 0 : i32
    %add3A_22 = arith.addi %mul3A_2, %add3A_21 : i32
    %run_scoped3A = arith.constant 0 : i32
    "tpu.region"() ({
      %run_scoped3A_372 = tpu.sem_alloc : memref<!tpu.dma_semaphore, #tpu.memory_space<semaphore_mem>>
      %dma_start3A_373 = arith.constant 0 : i32
      %dma_start3A_374 = tpu.memref_slice %arg5[%run_scoped3A, %dma_start3A_373] : memref<2x128xi32, #tpu.memory_space<vmem>> -> memref<1x128xi32, #tpu.memory_space<vmem>>
      %dma_start3A_375 = tpu.memref_squeeze %dma_start3A_374 : memref<1x128xi32, #tpu.memory_space<vmem>> -> memref<128xi32, #tpu.memory_space<vmem>>
      %dma_start3A_376 = tpu.memref_slice %arg3[%add3A_22] : memref<8192xi32, #tpu.memory_space<hbm>> -> memref<128xi32, #tpu.memory_space<hbm>>
      %dma_start3A_377 = arith.constant 0 : i32
      %dma_start3A_378 = tpu.memref_slice %arg5[%run_scoped3A, %dma_start3A_377] : memref<2x128xi32, #tpu.memory_space<vmem>> -> memref<1x128xi32, #tpu.memory_space<vmem>>
      %dma_start3A_379 = tpu.memref_squeeze %dma_start3A_378 : memref<1x128xi32, #tpu.memory_space<vmem>> -> memref<128xi32, #tpu.memory_space<vmem>>
      %dma_start3A_380 = tpu.memref_slice %arg3[%add3A_22] : memref<8192xi32, #tpu.memory_space<hbm>> -> memref<128xi32, #tpu.memory_space<hbm>>
      tpu.enqueue_dma source(%dma_start3A_380 : memref<128xi32, #tpu.memory_space<hbm>>) target(%dma_start3A_379 : memref<128xi32, #tpu.memory_space<vmem>>) target_semaphore(%run_scoped3A_372 : memref<!tpu.dma_semaphore, #tpu.memory_space<semaphore_mem>>)
      %dma_wait3A_381 = arith.constant 0 : i32
      %dma_wait3A_382 = tpu.memref_slice %arg5[%run_scoped3A, %dma_wait3A_381] : memref<2x128xi32, #tpu.memory_space<vmem>> -> memref<1x128xi32, #tpu.memory_space<vmem>>
      %dma_wait3A_383 = tpu.memref_squeeze %dma_wait3A_382 : memref<1x128xi32, #tpu.memory_space<vmem>> -> memref<128xi32, #tpu.memory_space<vmem>>
      %dma_wait3A_384 = tpu.memref_slice %arg3[%add3A_22] : memref<8192xi32, #tpu.memory_space<hbm>> -> memref<128xi32, #tpu.memory_space<hbm>>
      %dma_wait3A_385 = arith.constant 0 : i32
      %dma_wait3A_386 = tpu.memref_slice %arg5[%run_scoped3A, %dma_wait3A_385] : memref<2x128xi32, #tpu.memory_space<vmem>> -> memref<1x128xi32, #tpu.memory_space<vmem>>
      %dma_wait3A_387 = tpu.memref_squeeze %dma_wait3A_386 : memref<1x128xi32, #tpu.memory_space<vmem>> -> memref<128xi32, #tpu.memory_space<vmem>>
      %dma_wait3A_388 = tpu.memref_slice %arg3[%add3A_22] : memref<8192xi32, #tpu.memory_space<hbm>> -> memref<128xi32, #tpu.memory_space<hbm>>
      tpu.wait_dma2 semaphore(%run_scoped3A_372 : memref<!tpu.dma_semaphore, #tpu.memory_space<semaphore_mem>>) src(%dma_wait3A_388 : memref<128xi32, #tpu.memory_space<hbm>>) dst(%dma_wait3A_387 : memref<128xi32, #tpu.memory_space<vmem>>)
      tpu.yield
    }) : () -> ()
    %add3A_23 = arith.constant 128 : i32
    %add3A_24 = arith.addi %mul3A_2, %add3A_23 : i32
    %run_scoped3A_25 = arith.constant 1 : i32
    "tpu.region"() ({
      %run_scoped3A_372 = tpu.sem_alloc : memref<!tpu.dma_semaphore, #tpu.memory_space<semaphore_mem>>
      %dma_start3A_373 = arith.constant 0 : i32
      %dma_start3A_374 = tpu.memref_slice %arg5[%run_scoped3A_25, %dma_start3A_373] : memref<2x128xi32, #tpu.memory_space<vmem>> -> memref<1x128xi32, #tpu.memory_space<vmem>>
      %dma_start3A_375 = tpu.memref_squeeze %dma_start3A_374 : memref<1x128xi32, #tpu.memory_space<vmem>> -> memref<128xi32, #tpu.memory_space<vmem>>
      %dma_start3A_376 = tpu.memref_slice %arg3[%add3A_24] : memref<8192xi32, #tpu.memory_space<hbm>> -> memref<128xi32, #tpu.memory_space<hbm>>
      %dma_start3A_377 = arith.constant 0 : i32
      %dma_start3A_378 = tpu.memref_slice %arg5[%run_scoped3A_25, %dma_start3A_377] : memref<2x128xi32, #tpu.memory_space<vmem>> -> memref<1x128xi32, #tpu.memory_space<vmem>>
      %dma_start3A_379 = tpu.memref_squeeze %dma_start3A_378 : memref<1x128xi32, #tpu.memory_space<vmem>> -> memref<128xi32, #tpu.memory_space<vmem>>
      %dma_start3A_380 = tpu.memref_slice %arg3[%add3A_24] : memref<8192xi32, #tpu.memory_space<hbm>> -> memref<128xi32, #tpu.memory_space<hbm>>
      tpu.enqueue_dma source(%dma_start3A_380 : memref<128xi32, #tpu.memory_space<hbm>>) target(%dma_start3A_379 : memref<128xi32, #tpu.memory_space<vmem>>) target_semaphore(%run_scoped3A_372 : memref<!tpu.dma_semaphore, #tpu.memory_space<semaphore_mem>>)
      %dma_wait3A_381 = arith.constant 0 : i32
      %dma_wait3A_382 = tpu.memref_slice %arg5[%run_scoped3A_25, %dma_wait3A_381] : memref<2x128xi32, #tpu.memory_space<vmem>> -> memref<1x128xi32, #tpu.memory_space<vmem>>
      %dma_wait3A_383 = tpu.memref_squeeze %dma_wait3A_382 : memref<1x128xi32, #tpu.memory_space<vmem>> -> memref<128xi32, #tpu.memory_space<vmem>>
      %dma_wait3A_384 = tpu.memref_slice %arg3[%add3A_24] : memref<8192xi32, #tpu.memory_space<hbm>> -> memref<128xi32, #tpu.memory_space<hbm>>
      %dma_wait3A_385 = arith.constant 0 : i32
      %dma_wait3A_386 = tpu.memref_slice %arg5[%run_scoped3A_25, %dma_wait3A_385] : memref<2x128xi32, #tpu.memory_space<vmem>> -> memref<1x128xi32, #tpu.memory_space<vmem>>
      %dma_wait3A_387 = tpu.memref_squeeze %dma_wait3A_386 : memref<1x128xi32, #tpu.memory_space<vmem>> -> memref<128xi32, #tpu.memory_space<vmem>>
      %dma_wait3A_388 = tpu.memref_slice %arg3[%add3A_24] : memref<8192xi32, #tpu.memory_space<hbm>> -> memref<128xi32, #tpu.memory_space<hbm>>
      tpu.wait_dma2 semaphore(%run_scoped3A_372 : memref<!tpu.dma_semaphore, #tpu.memory_space<semaphore_mem>>) src(%dma_wait3A_388 : memref<128xi32, #tpu.memory_space<hbm>>) dst(%dma_wait3A_387 : memref<128xi32, #tpu.memory_space<vmem>>)
      tpu.yield
    }) : () -> ()
    %get3A = arith.constant 0 : i32
    %get3A_26 = arith.index_cast %get3A : i32 to index
    %get3A_27 = arith.constant 0 : index
    %get3A_28 = tpu.vector_load %arg5[%get3A_26, %get3A_27] {strides = array<i32>} : memref<2x128xi32, #tpu.memory_space<vmem>>, vector<1x16xi32>,
    %get3A_29 = vector.shape_cast %get3A_28 : vector<1x16xi32> to vector<16xi32>
    %jit3A_30 = arith.constant 0 : i32
    %jit3A_31 = arith.constant 8191 : i32
    %max3A = vector.broadcast %jit3A_30 : i32 to vector<16xi32>
    %max3A_32 = arith.maxsi %max3A, %get3A_29 : vector<16xi32>
    %min3A = vector.broadcast %jit3A_31 : i32 to vector<16xi32>
    %min3A_33 = arith.minsi %min3A, %max3A_32 : vector<16xi32>
    %add3A_34 = vector.broadcast %mul3A_20 : i32 to vector<16xi32>
    %add3A_35 = arith.addi %min3A_33, %add3A_34 : vector<16xi32>
    %swap3A = arith.constant 0 : i32
    %swap3A_36 = arith.index_cast %swap3A : i32 to index
    %swap3A_37 = arith.constant 0 : index
    %swap3A_38 = tpu.vector_load %arg5[%swap3A_36, %swap3A_37] {strides = array<i32>} : memref<2x128xi32, #tpu.memory_space<vmem>>, vector<1x16xi32>,
    %swap3A_39 = vector.shape_cast %swap3A_38 : vector<1x16xi32> to vector<16xi32>
    %swap3A_40 = vector.shape_cast %add3A_35 : vector<16xi32> to vector<1x16xi32>
    tpu.vector_store %arg5[%swap3A_36, %swap3A_37], %swap3A_40 {strides = array<i32>} : memref<2x128xi32, #tpu.memory_space<vmem>>, vector<1x16xi32>,
    %get3A_41 = arith.constant 0 : i32
    %get3A_42 = arith.index_cast %get3A_41 : i32 to index
    %get3A_43 = arith.constant 16 : index
    %get3A_44 = tpu.vector_load %arg5[%get3A_42, %get3A_43] {strides = array<i32>} : memref<2x128xi32, #tpu.memory_space<vmem>>, vector<1x16xi32>,
    %get3A_45 = vector.shape_cast %get3A_44 : vector<1x16xi32> to vector<16xi32>
    %jit3A_46 = arith.constant 0 : i32
    %jit3A_47 = arith.constant 8191 : i32
    %max3A_48 = vector.broadcast %jit3A_46 : i32 to vector<16xi32>
    %max3A_49 = arith.maxsi %max3A_48, %get3A_45 : vector<16xi32>
    %min3A_50 = vector.broadcast %jit3A_47 : i32 to vector<16xi32>
    %min3A_51 = arith.minsi %min3A_50, %max3A_49 : vector<16xi32>
    %add3A_52 = vector.broadcast %mul3A_20 : i32 to vector<16xi32>
    %add3A_53 = arith.addi %min3A_51, %add3A_52 : vector<16xi32>
    %swap3A_54 = arith.constant 0 : i32
    %swap3A_55 = arith.index_cast %swap3A_54 : i32 to index
    %swap3A_56 = arith.constant 16 : index
    %swap3A_57 = tpu.vector_load %arg5[%swap3A_55, %swap3A_56] {strides = array<i32>} : memref<2x128xi32, #tpu.memory_space<vmem>>, vector<1x16xi32>,
    %swap3A_58 = vector.shape_cast %swap3A_57 : vector<1x16xi32> to vector<16xi32>
    %swap3A_59 = vector.shape_cast %add3A_53 : vector<16xi32> to vector<1x16xi32>
    tpu.vector_store %arg5[%swap3A_55, %swap3A_56], %swap3A_59 {strides = array<i32>} : memref<2x128xi32, #tpu.memory_space<vmem>>, vector<1x16xi32>,
    %get3A_60 = arith.constant 0 : i32
    %get3A_61 = arith.index_cast %get3A_60 : i32 to index
    %get3A_62 = arith.constant 32 : index
    %get3A_63 = tpu.vector_load %arg5[%get3A_61, %get3A_62] {strides = array<i32>} : memref<2x128xi32, #tpu.memory_space<vmem>>, vector<1x16xi32>,
    %get3A_64 = vector.shape_cast %get3A_63 : vector<1x16xi32> to vector<16xi32>
    %jit3A_65 = arith.constant 0 : i32
    %jit3A_66 = arith.constant 8191 : i32
    %max3A_67 = vector.broadcast %jit3A_65 : i32 to vector<16xi32>
    %max3A_68 = arith.maxsi %max3A_67, %get3A_64 : vector<16xi32>
    %min3A_69 = vector.broadcast %jit3A_66 : i32 to vector<16xi32>
    %min3A_70 = arith.minsi %min3A_69, %max3A_68 : vector<16xi32>
    %add3A_71 = vector.broadcast %mul3A_20 : i32 to vector<16xi32>
    %add3A_72 = arith.addi %min3A_70, %add3A_71 : vector<16xi32>
    %swap3A_73 = arith.constant 0 : i32
    %swap3A_74 = arith.index_cast %swap3A_73 : i32 to index
    %swap3A_75 = arith.constant 32 : index
    %swap3A_76 = tpu.vector_load %arg5[%swap3A_74, %swap3A_75] {strides = array<i32>} : memref<2x128xi32, #tpu.memory_space<vmem>>, vector<1x16xi32>,
    %swap3A_77 = vector.shape_cast %swap3A_76 : vector<1x16xi32> to vector<16xi32>
    %swap3A_78 = vector.shape_cast %add3A_72 : vector<16xi32> to vector<1x16xi32>
    tpu.vector_store %arg5[%swap3A_74, %swap3A_75], %swap3A_78 {strides = array<i32>} : memref<2x128xi32, #tpu.memory_space<vmem>>, vector<1x16xi32>,
    %get3A_79 = arith.constant 0 : i32
    %get3A_80 = arith.index_cast %get3A_79 : i32 to index
    %get3A_81 = arith.constant 48 : index
    %get3A_82 = tpu.vector_load %arg5[%get3A_80, %get3A_81] {strides = array<i32>} : memref<2x128xi32, #tpu.memory_space<vmem>>, vector<1x16xi32>,
    %get3A_83 = vector.shape_cast %get3A_82 : vector<1x16xi32> to vector<16xi32>
    %jit3A_84 = arith.constant 0 : i32
    %jit3A_85 = arith.constant 8191 : i32
    %max3A_86 = vector.broadcast %jit3A_84 : i32 to vector<16xi32>
    %max3A_87 = arith.maxsi %max3A_86, %get3A_83 : vector<16xi32>
    %min3A_88 = vector.broadcast %jit3A_85 : i32 to vector<16xi32>
    %min3A_89 = arith.minsi %min3A_88, %max3A_87 : vector<16xi32>
    %add3A_90 = vector.broadcast %mul3A_20 : i32 to vector<16xi32>
    %add3A_91 = arith.addi %min3A_89, %add3A_90 : vector<16xi32>
    %swap3A_92 = arith.constant 0 : i32
    %swap3A_93 = arith.index_cast %swap3A_92 : i32 to index
    %swap3A_94 = arith.constant 48 : index
    %swap3A_95 = tpu.vector_load %arg5[%swap3A_93, %swap3A_94] {strides = array<i32>} : memref<2x128xi32, #tpu.memory_space<vmem>>, vector<1x16xi32>,
    %swap3A_96 = vector.shape_cast %swap3A_95 : vector<1x16xi32> to vector<16xi32>
    %swap3A_97 = vector.shape_cast %add3A_91 : vector<16xi32> to vector<1x16xi32>
    tpu.vector_store %arg5[%swap3A_93, %swap3A_94], %swap3A_97 {strides = array<i32>} : memref<2x128xi32, #tpu.memory_space<vmem>>, vector<1x16xi32>,
    %get3A_98 = arith.constant 0 : i32
    %get3A_99 = arith.index_cast %get3A_98 : i32 to index
    %get3A_100 = arith.constant 64 : index
    %get3A_101 = tpu.vector_load %arg5[%get3A_99, %get3A_100] {strides = array<i32>} : memref<2x128xi32, #tpu.memory_space<vmem>>, vector<1x16xi32>,
    %get3A_102 = vector.shape_cast %get3A_101 : vector<1x16xi32> to vector<16xi32>
    %jit3A_103 = arith.constant 0 : i32
    %jit3A_104 = arith.constant 8191 : i32
    %max3A_105 = vector.broadcast %jit3A_103 : i32 to vector<16xi32>
    %max3A_106 = arith.maxsi %max3A_105, %get3A_102 : vector<16xi32>
    %min3A_107 = vector.broadcast %jit3A_104 : i32 to vector<16xi32>
    %min3A_108 = arith.minsi %min3A_107, %max3A_106 : vector<16xi32>
    %add3A_109 = vector.broadcast %mul3A_20 : i32 to vector<16xi32>
    %add3A_110 = arith.addi %min3A_108, %add3A_109 : vector<16xi32>
    %swap3A_111 = arith.constant 0 : i32
    %swap3A_112 = arith.index_cast %swap3A_111 : i32 to index
    %swap3A_113 = arith.constant 64 : index
    %swap3A_114 = tpu.vector_load %arg5[%swap3A_112, %swap3A_113] {strides = array<i32>} : memref<2x128xi32, #tpu.memory_space<vmem>>, vector<1x16xi32>,
    %swap3A_115 = vector.shape_cast %swap3A_114 : vector<1x16xi32> to vector<16xi32>
    %swap3A_116 = vector.shape_cast %add3A_110 : vector<16xi32> to vector<1x16xi32>
    tpu.vector_store %arg5[%swap3A_112, %swap3A_113], %swap3A_116 {strides = array<i32>} : memref<2x128xi32, #tpu.memory_space<vmem>>, vector<1x16xi32>,
    %get3A_117 = arith.constant 0 : i32
    %get3A_118 = arith.index_cast %get3A_117 : i32 to index
    %get3A_119 = arith.constant 80 : index
    %get3A_120 = tpu.vector_load %arg5[%get3A_118, %get3A_119] {strides = array<i32>} : memref<2x128xi32, #tpu.memory_space<vmem>>, vector<1x16xi32>,
    %get3A_121 = vector.shape_cast %get3A_120 : vector<1x16xi32> to vector<16xi32>
    %jit3A_122 = arith.constant 0 : i32
    %jit3A_123 = arith.constant 8191 : i32
    %max3A_124 = vector.broadcast %jit3A_122 : i32 to vector<16xi32>
    %max3A_125 = arith.maxsi %max3A_124, %get3A_121 : vector<16xi32>
    %min3A_126 = vector.broadcast %jit3A_123 : i32 to vector<16xi32>
    %min3A_127 = arith.minsi %min3A_126, %max3A_125 : vector<16xi32>
    %add3A_128 = vector.broadcast %mul3A_20 : i32 to vector<16xi32>
    %add3A_129 = arith.addi %min3A_127, %add3A_128 : vector<16xi32>
    %swap3A_130 = arith.constant 0 : i32
    %swap3A_131 = arith.index_cast %swap3A_130 : i32 to index
    %swap3A_132 = arith.constant 80 : index
    %swap3A_133 = tpu.vector_load %arg5[%swap3A_131, %swap3A_132] {strides = array<i32>} : memref<2x128xi32, #tpu.memory_space<vmem>>, vector<1x16xi32>,
    %swap3A_134 = vector.shape_cast %swap3A_133 : vector<1x16xi32> to vector<16xi32>
    %swap3A_135 = vector.shape_cast %add3A_129 : vector<16xi32> to vector<1x16xi32>
    tpu.vector_store %arg5[%swap3A_131, %swap3A_132], %swap3A_135 {strides = array<i32>} : memref<2x128xi32, #tpu.memory_space<vmem>>, vector<1x16xi32>,
    %get3A_136 = arith.constant 0 : i32
    %get3A_137 = arith.index_cast %get3A_136 : i32 to index
    %get3A_138 = arith.constant 96 : index
    %get3A_139 = tpu.vector_load %arg5[%get3A_137, %get3A_138] {strides = array<i32>} : memref<2x128xi32, #tpu.memory_space<vmem>>, vector<1x16xi32>,
    %get3A_140 = vector.shape_cast %get3A_139 : vector<1x16xi32> to vector<16xi32>
    %jit3A_141 = arith.constant 0 : i32
    %jit3A_142 = arith.constant 8191 : i32
    %max3A_143 = vector.broadcast %jit3A_141 : i32 to vector<16xi32>
    %max3A_144 = arith.maxsi %max3A_143, %get3A_140 : vector<16xi32>
    %min3A_145 = vector.broadcast %jit3A_142 : i32 to vector<16xi32>
    %min3A_146 = arith.minsi %min3A_145, %max3A_144 : vector<16xi32>
    %add3A_147 = vector.broadcast %mul3A_20 : i32 to vector<16xi32>
    %add3A_148 = arith.addi %min3A_146, %add3A_147 : vector<16xi32>
    %swap3A_149 = arith.constant 0 : i32
    %swap3A_150 = arith.index_cast %swap3A_149 : i32 to index
    %swap3A_151 = arith.constant 96 : index
    %swap3A_152 = tpu.vector_load %arg5[%swap3A_150, %swap3A_151] {strides = array<i32>} : memref<2x128xi32, #tpu.memory_space<vmem>>, vector<1x16xi32>,
    %swap3A_153 = vector.shape_cast %swap3A_152 : vector<1x16xi32> to vector<16xi32>
    %swap3A_154 = vector.shape_cast %add3A_148 : vector<16xi32> to vector<1x16xi32>
    tpu.vector_store %arg5[%swap3A_150, %swap3A_151], %swap3A_154 {strides = array<i32>} : memref<2x128xi32, #tpu.memory_space<vmem>>, vector<1x16xi32>,
    %get3A_155 = arith.constant 0 : i32
    %get3A_156 = arith.index_cast %get3A_155 : i32 to index
    %get3A_157 = arith.constant 112 : index
    %get3A_158 = tpu.vector_load %arg5[%get3A_156, %get3A_157] {strides = array<i32>} : memref<2x128xi32, #tpu.memory_space<vmem>>, vector<1x16xi32>,
    %get3A_159 = vector.shape_cast %get3A_158 : vector<1x16xi32> to vector<16xi32>
    %jit3A_160 = arith.constant 0 : i32
    %jit3A_161 = arith.constant 8191 : i32
    %max3A_162 = vector.broadcast %jit3A_160 : i32 to vector<16xi32>
    %max3A_163 = arith.maxsi %max3A_162, %get3A_159 : vector<16xi32>
    %min3A_164 = vector.broadcast %jit3A_161 : i32 to vector<16xi32>
    %min3A_165 = arith.minsi %min3A_164, %max3A_163 : vector<16xi32>
    %add3A_166 = vector.broadcast %mul3A_20 : i32 to vector<16xi32>
    %add3A_167 = arith.addi %min3A_165, %add3A_166 : vector<16xi32>
    %swap3A_168 = arith.constant 0 : i32
    %swap3A_169 = arith.index_cast %swap3A_168 : i32 to index
    %swap3A_170 = arith.constant 112 : index
    %swap3A_171 = tpu.vector_load %arg5[%swap3A_169, %swap3A_170] {strides = array<i32>} : memref<2x128xi32, #tpu.memory_space<vmem>>, vector<1x16xi32>,
    %swap3A_172 = vector.shape_cast %swap3A_171 : vector<1x16xi32> to vector<16xi32>
    %swap3A_173 = vector.shape_cast %add3A_167 : vector<16xi32> to vector<1x16xi32>
    tpu.vector_store %arg5[%swap3A_169, %swap3A_170], %swap3A_173 {strides = array<i32>} : memref<2x128xi32, #tpu.memory_space<vmem>>, vector<1x16xi32>,
    %get3A_174 = arith.constant 1 : i32
    %get3A_175 = arith.index_cast %get3A_174 : i32 to index
    %get3A_176 = arith.constant 0 : index
    %get3A_177 = tpu.vector_load %arg5[%get3A_175, %get3A_176] {strides = array<i32>} : memref<2x128xi32, #tpu.memory_space<vmem>>, vector<1x16xi32>,
    %get3A_178 = vector.shape_cast %get3A_177 : vector<1x16xi32> to vector<16xi32>
    %jit3A_179 = arith.constant 0 : i32
    %jit3A_180 = arith.constant 8191 : i32
    %max3A_181 = vector.broadcast %jit3A_179 : i32 to vector<16xi32>
    %max3A_182 = arith.maxsi %max3A_181, %get3A_178 : vector<16xi32>
    %min3A_183 = vector.broadcast %jit3A_180 : i32 to vector<16xi32>
    %min3A_184 = arith.minsi %min3A_183, %max3A_182 : vector<16xi32>
    %add3A_185 = vector.broadcast %mul3A_20 : i32 to vector<16xi32>
    %add3A_186 = arith.addi %min3A_184, %add3A_185 : vector<16xi32>
    %swap3A_187 = arith.constant 1 : i32
    %swap3A_188 = arith.index_cast %swap3A_187 : i32 to index
    %swap3A_189 = arith.constant 0 : index
    %swap3A_190 = tpu.vector_load %arg5[%swap3A_188, %swap3A_189] {strides = array<i32>} : memref<2x128xi32, #tpu.memory_space<vmem>>, vector<1x16xi32>,
    %swap3A_191 = vector.shape_cast %swap3A_190 : vector<1x16xi32> to vector<16xi32>
    %swap3A_192 = vector.shape_cast %add3A_186 : vector<16xi32> to vector<1x16xi32>
    tpu.vector_store %arg5[%swap3A_188, %swap3A_189], %swap3A_192 {strides = array<i32>} : memref<2x128xi32, #tpu.memory_space<vmem>>, vector<1x16xi32>,
    %get3A_193 = arith.constant 1 : i32
    %get3A_194 = arith.index_cast %get3A_193 : i32 to index
    %get3A_195 = arith.constant 16 : index
    %get3A_196 = tpu.vector_load %arg5[%get3A_194, %get3A_195] {strides = array<i32>} : memref<2x128xi32, #tpu.memory_space<vmem>>, vector<1x16xi32>,
    %get3A_197 = vector.shape_cast %get3A_196 : vector<1x16xi32> to vector<16xi32>
    %jit3A_198 = arith.constant 0 : i32
    %jit3A_199 = arith.constant 8191 : i32
    %max3A_200 = vector.broadcast %jit3A_198 : i32 to vector<16xi32>
    %max3A_201 = arith.maxsi %max3A_200, %get3A_197 : vector<16xi32>
    %min3A_202 = vector.broadcast %jit3A_199 : i32 to vector<16xi32>
    %min3A_203 = arith.minsi %min3A_202, %max3A_201 : vector<16xi32>
    %add3A_204 = vector.broadcast %mul3A_20 : i32 to vector<16xi32>
    %add3A_205 = arith.addi %min3A_203, %add3A_204 : vector<16xi32>
    %swap3A_206 = arith.constant 1 : i32
    %swap3A_207 = arith.index_cast %swap3A_206 : i32 to index
    %swap3A_208 = arith.constant 16 : index
    %swap3A_209 = tpu.vector_load %arg5[%swap3A_207, %swap3A_208] {strides = array<i32>} : memref<2x128xi32, #tpu.memory_space<vmem>>, vector<1x16xi32>,
    %swap3A_210 = vector.shape_cast %swap3A_209 : vector<1x16xi32> to vector<16xi32>
    %swap3A_211 = vector.shape_cast %add3A_205 : vector<16xi32> to vector<1x16xi32>
    tpu.vector_store %arg5[%swap3A_207, %swap3A_208], %swap3A_211 {strides = array<i32>} : memref<2x128xi32, #tpu.memory_space<vmem>>, vector<1x16xi32>,
    %get3A_212 = arith.constant 1 : i32
    %get3A_213 = arith.index_cast %get3A_212 : i32 to index
    %get3A_214 = arith.constant 32 : index
    %get3A_215 = tpu.vector_load %arg5[%get3A_213, %get3A_214] {strides = array<i32>} : memref<2x128xi32, #tpu.memory_space<vmem>>, vector<1x16xi32>,
    %get3A_216 = vector.shape_cast %get3A_215 : vector<1x16xi32> to vector<16xi32>
    %jit3A_217 = arith.constant 0 : i32
    %jit3A_218 = arith.constant 8191 : i32
    %max3A_219 = vector.broadcast %jit3A_217 : i32 to vector<16xi32>
    %max3A_220 = arith.maxsi %max3A_219, %get3A_216 : vector<16xi32>
    %min3A_221 = vector.broadcast %jit3A_218 : i32 to vector<16xi32>
    %min3A_222 = arith.minsi %min3A_221, %max3A_220 : vector<16xi32>
    %add3A_223 = vector.broadcast %mul3A_20 : i32 to vector<16xi32>
    %add3A_224 = arith.addi %min3A_222, %add3A_223 : vector<16xi32>
    %swap3A_225 = arith.constant 1 : i32
    %swap3A_226 = arith.index_cast %swap3A_225 : i32 to index
    %swap3A_227 = arith.constant 32 : index
    %swap3A_228 = tpu.vector_load %arg5[%swap3A_226, %swap3A_227] {strides = array<i32>} : memref<2x128xi32, #tpu.memory_space<vmem>>, vector<1x16xi32>,
    %swap3A_229 = vector.shape_cast %swap3A_228 : vector<1x16xi32> to vector<16xi32>
    %swap3A_230 = vector.shape_cast %add3A_224 : vector<16xi32> to vector<1x16xi32>
    tpu.vector_store %arg5[%swap3A_226, %swap3A_227], %swap3A_230 {strides = array<i32>} : memref<2x128xi32, #tpu.memory_space<vmem>>, vector<1x16xi32>,
    %get3A_231 = arith.constant 1 : i32
    %get3A_232 = arith.index_cast %get3A_231 : i32 to index
    %get3A_233 = arith.constant 48 : index
    %get3A_234 = tpu.vector_load %arg5[%get3A_232, %get3A_233] {strides = array<i32>} : memref<2x128xi32, #tpu.memory_space<vmem>>, vector<1x16xi32>,
    %get3A_235 = vector.shape_cast %get3A_234 : vector<1x16xi32> to vector<16xi32>
    %jit3A_236 = arith.constant 0 : i32
    %jit3A_237 = arith.constant 8191 : i32
    %max3A_238 = vector.broadcast %jit3A_236 : i32 to vector<16xi32>
    %max3A_239 = arith.maxsi %max3A_238, %get3A_235 : vector<16xi32>
    %min3A_240 = vector.broadcast %jit3A_237 : i32 to vector<16xi32>
    %min3A_241 = arith.minsi %min3A_240, %max3A_239 : vector<16xi32>
    %add3A_242 = vector.broadcast %mul3A_20 : i32 to vector<16xi32>
    %add3A_243 = arith.addi %min3A_241, %add3A_242 : vector<16xi32>
    %swap3A_244 = arith.constant 1 : i32
    %swap3A_245 = arith.index_cast %swap3A_244 : i32 to index
    %swap3A_246 = arith.constant 48 : index
    %swap3A_247 = tpu.vector_load %arg5[%swap3A_245, %swap3A_246] {strides = array<i32>} : memref<2x128xi32, #tpu.memory_space<vmem>>, vector<1x16xi32>,
    %swap3A_248 = vector.shape_cast %swap3A_247 : vector<1x16xi32> to vector<16xi32>
    %swap3A_249 = vector.shape_cast %add3A_243 : vector<16xi32> to vector<1x16xi32>
    tpu.vector_store %arg5[%swap3A_245, %swap3A_246], %swap3A_249 {strides = array<i32>} : memref<2x128xi32, #tpu.memory_space<vmem>>, vector<1x16xi32>,
    %get3A_250 = arith.constant 1 : i32
    %get3A_251 = arith.index_cast %get3A_250 : i32 to index
    %get3A_252 = arith.constant 64 : index
    %get3A_253 = tpu.vector_load %arg5[%get3A_251, %get3A_252] {strides = array<i32>} : memref<2x128xi32, #tpu.memory_space<vmem>>, vector<1x16xi32>,
    %get3A_254 = vector.shape_cast %get3A_253 : vector<1x16xi32> to vector<16xi32>
    %jit3A_255 = arith.constant 0 : i32
    %jit3A_256 = arith.constant 8191 : i32
    %max3A_257 = vector.broadcast %jit3A_255 : i32 to vector<16xi32>
    %max3A_258 = arith.maxsi %max3A_257, %get3A_254 : vector<16xi32>
    %min3A_259 = vector.broadcast %jit3A_256 : i32 to vector<16xi32>
    %min3A_260 = arith.minsi %min3A_259, %max3A_258 : vector<16xi32>
    %add3A_261 = vector.broadcast %mul3A_20 : i32 to vector<16xi32>
    %add3A_262 = arith.addi %min3A_260, %add3A_261 : vector<16xi32>
    %swap3A_263 = arith.constant 1 : i32
    %swap3A_264 = arith.index_cast %swap3A_263 : i32 to index
    %swap3A_265 = arith.constant 64 : index
    %swap3A_266 = tpu.vector_load %arg5[%swap3A_264, %swap3A_265] {strides = array<i32>} : memref<2x128xi32, #tpu.memory_space<vmem>>, vector<1x16xi32>,
    %swap3A_267 = vector.shape_cast %swap3A_266 : vector<1x16xi32> to vector<16xi32>
    %swap3A_268 = vector.shape_cast %add3A_262 : vector<16xi32> to vector<1x16xi32>
    tpu.vector_store %arg5[%swap3A_264, %swap3A_265], %swap3A_268 {strides = array<i32>} : memref<2x128xi32, #tpu.memory_space<vmem>>, vector<1x16xi32>,
    %get3A_269 = arith.constant 1 : i32
    %get3A_270 = arith.index_cast %get3A_269 : i32 to index
    %get3A_271 = arith.constant 80 : index
    %get3A_272 = tpu.vector_load %arg5[%get3A_270, %get3A_271] {strides = array<i32>} : memref<2x128xi32, #tpu.memory_space<vmem>>, vector<1x16xi32>,
    %get3A_273 = vector.shape_cast %get3A_272 : vector<1x16xi32> to vector<16xi32>
    %jit3A_274 = arith.constant 0 : i32
    %jit3A_275 = arith.constant 8191 : i32
    %max3A_276 = vector.broadcast %jit3A_274 : i32 to vector<16xi32>
    %max3A_277 = arith.maxsi %max3A_276, %get3A_273 : vector<16xi32>
    %min3A_278 = vector.broadcast %jit3A_275 : i32 to vector<16xi32>
    %min3A_279 = arith.minsi %min3A_278, %max3A_277 : vector<16xi32>
    %add3A_280 = vector.broadcast %mul3A_20 : i32 to vector<16xi32>
    %add3A_281 = arith.addi %min3A_279, %add3A_280 : vector<16xi32>
    %swap3A_282 = arith.constant 1 : i32
    %swap3A_283 = arith.index_cast %swap3A_282 : i32 to index
    %swap3A_284 = arith.constant 80 : index
    %swap3A_285 = tpu.vector_load %arg5[%swap3A_283, %swap3A_284] {strides = array<i32>} : memref<2x128xi32, #tpu.memory_space<vmem>>, vector<1x16xi32>,
    %swap3A_286 = vector.shape_cast %swap3A_285 : vector<1x16xi32> to vector<16xi32>
    %swap3A_287 = vector.shape_cast %add3A_281 : vector<16xi32> to vector<1x16xi32>
    tpu.vector_store %arg5[%swap3A_283, %swap3A_284], %swap3A_287 {strides = array<i32>} : memref<2x128xi32, #tpu.memory_space<vmem>>, vector<1x16xi32>,
    %get3A_288 = arith.constant 1 : i32
    %get3A_289 = arith.index_cast %get3A_288 : i32 to index
    %get3A_290 = arith.constant 96 : index
    %get3A_291 = tpu.vector_load %arg5[%get3A_289, %get3A_290] {strides = array<i32>} : memref<2x128xi32, #tpu.memory_space<vmem>>, vector<1x16xi32>,
    %get3A_292 = vector.shape_cast %get3A_291 : vector<1x16xi32> to vector<16xi32>
    %jit3A_293 = arith.constant 0 : i32
    %jit3A_294 = arith.constant 8191 : i32
    %max3A_295 = vector.broadcast %jit3A_293 : i32 to vector<16xi32>
    %max3A_296 = arith.maxsi %max3A_295, %get3A_292 : vector<16xi32>
    %min3A_297 = vector.broadcast %jit3A_294 : i32 to vector<16xi32>
    %min3A_298 = arith.minsi %min3A_297, %max3A_296 : vector<16xi32>
    %add3A_299 = vector.broadcast %mul3A_20 : i32 to vector<16xi32>
    %add3A_300 = arith.addi %min3A_298, %add3A_299 : vector<16xi32>
    %swap3A_301 = arith.constant 1 : i32
    %swap3A_302 = arith.index_cast %swap3A_301 : i32 to index
    %swap3A_303 = arith.constant 96 : index
    %swap3A_304 = tpu.vector_load %arg5[%swap3A_302, %swap3A_303] {strides = array<i32>} : memref<2x128xi32, #tpu.memory_space<vmem>>, vector<1x16xi32>,
    %swap3A_305 = vector.shape_cast %swap3A_304 : vector<1x16xi32> to vector<16xi32>
    %swap3A_306 = vector.shape_cast %add3A_300 : vector<16xi32> to vector<1x16xi32>
    tpu.vector_store %arg5[%swap3A_302, %swap3A_303], %swap3A_306 {strides = array<i32>} : memref<2x128xi32, #tpu.memory_space<vmem>>, vector<1x16xi32>,
    %get3A_307 = arith.constant 1 : i32
    %get3A_308 = arith.index_cast %get3A_307 : i32 to index
    %get3A_309 = arith.constant 112 : index
    %get3A_310 = tpu.vector_load %arg5[%get3A_308, %get3A_309] {strides = array<i32>} : memref<2x128xi32, #tpu.memory_space<vmem>>, vector<1x16xi32>,
    %get3A_311 = vector.shape_cast %get3A_310 : vector<1x16xi32> to vector<16xi32>
    %jit3A_312 = arith.constant 0 : i32
    %jit3A_313 = arith.constant 8191 : i32
    %max3A_314 = vector.broadcast %jit3A_312 : i32 to vector<16xi32>
    %max3A_315 = arith.maxsi %max3A_314, %get3A_311 : vector<16xi32>
    %min3A_316 = vector.broadcast %jit3A_313 : i32 to vector<16xi32>
    %min3A_317 = arith.minsi %min3A_316, %max3A_315 : vector<16xi32>
    %add3A_318 = vector.broadcast %mul3A_20 : i32 to vector<16xi32>
    %add3A_319 = arith.addi %min3A_317, %add3A_318 : vector<16xi32>
    %swap3A_320 = arith.constant 1 : i32
    %swap3A_321 = arith.index_cast %swap3A_320 : i32 to index
    %swap3A_322 = arith.constant 112 : index
    %swap3A_323 = tpu.vector_load %arg5[%swap3A_321, %swap3A_322] {strides = array<i32>} : memref<2x128xi32, #tpu.memory_space<vmem>>, vector<1x16xi32>,
    %swap3A_324 = vector.shape_cast %swap3A_323 : vector<1x16xi32> to vector<16xi32>
    %swap3A_325 = vector.shape_cast %add3A_319 : vector<16xi32> to vector<1x16xi32>
    tpu.vector_store %arg5[%swap3A_321, %swap3A_322], %swap3A_325 {strides = array<i32>} : memref<2x128xi32, #tpu.memory_space<vmem>>, vector<1x16xi32>,
    %dma_start3A = arith.constant 0 : i32
    %dma_start3A_326 = arith.constant 0 : i32
    %dma_start3A_327 = tpu.memref_slice %arg5[%dma_start3A, %dma_start3A_326] : memref<2x128xi32, #tpu.memory_space<vmem>> -> memref<1x128xi32, #tpu.memory_space<vmem>>
    %dma_start3A_328 = tpu.memref_squeeze %dma_start3A_327 : memref<1x128xi32, #tpu.memory_space<vmem>> -> memref<128xi32, #tpu.memory_space<vmem>>
    %dma_start3A_329 = arith.constant 0 : i32
    %dma_start3A_330 = arith.constant 0 : i32
    %dma_start3A_331 = tpu.memref_slice %arg2[%dma_start3A_329, %dma_start3A_330] : memref<32768x384xi32, #tpu.memory_space<hbm>> -> memref<32768x384xi32, #tpu.memory_space<hbm>>
    tpu.enqueue_indirect_dma source(%dma_start3A_331 : memref<32768x384xi32, #tpu.memory_space<hbm>>) target(%arg6 : memref<128x384xi32, #tpu.memory_space<vmem>>) offsets(%dma_start3A_328 : memref<128xi32, #tpu.memory_space<vmem>>) semaphore(%arg8 : memref<!tpu.dma_semaphore, #tpu.memory_space<semaphore_mem>>)
    %dma_start3A_332 = arith.constant 1 : i32
    %dma_start3A_333 = arith.constant 0 : i32
    %dma_start3A_334 = tpu.memref_slice %arg5[%dma_start3A_332, %dma_start3A_333] : memref<2x128xi32, #tpu.memory_space<vmem>> -> memref<1x128xi32, #tpu.memory_space<vmem>>
    %dma_start3A_335 = tpu.memref_squeeze %dma_start3A_334 : memref<1x128xi32, #tpu.memory_space<vmem>> -> memref<128xi32, #tpu.memory_space<vmem>>
    %dma_start3A_336 = arith.constant 0 : i32
    %dma_start3A_337 = arith.constant 0 : i32
    %dma_start3A_338 = tpu.memref_slice %arg2[%dma_start3A_336, %dma_start3A_337] : memref<32768x384xi32, #tpu.memory_space<hbm>> -> memref<32768x384xi32, #tpu.memory_space<hbm>>
    tpu.enqueue_indirect_dma source(%dma_start3A_338 : memref<32768x384xi32, #tpu.memory_space<hbm>>) target(%arg7 : memref<128x384xi32, #tpu.memory_space<vmem>>) offsets(%dma_start3A_335 : memref<128xi32, #tpu.memory_space<vmem>>) semaphore(%arg8 : memref<!tpu.dma_semaphore, #tpu.memory_space<semaphore_mem>>)
    %dma_wait3A = arith.constant 0 : i32
    %dma_wait3A_339 = arith.constant 0 : i32
    %dma_wait3A_340 = tpu.memref_slice %arg5[%dma_wait3A, %dma_wait3A_339] : memref<2x128xi32, #tpu.memory_space<vmem>> -> memref<1x128xi32, #tpu.memory_space<vmem>>
    %dma_wait3A_341 = tpu.memref_squeeze %dma_wait3A_340 : memref<1x128xi32, #tpu.memory_space<vmem>> -> memref<128xi32, #tpu.memory_space<vmem>>
    %dma_wait3A_342 = arith.constant 0 : i32
    %dma_wait3A_343 = arith.constant 0 : i32
    %dma_wait3A_344 = tpu.memref_slice %arg2[%dma_wait3A_342, %dma_wait3A_343] : memref<32768x384xi32, #tpu.memory_space<hbm>> -> memref<32768x384xi32, #tpu.memory_space<hbm>>
    tpu.wait_indirect_dma semaphore(%arg8 : memref<!tpu.dma_semaphore, #tpu.memory_space<semaphore_mem>>) src(%dma_wait3A_344 : memref<32768x384xi32, #tpu.memory_space<hbm>>) dst(%arg6 : memref<128x384xi32, #tpu.memory_space<vmem>>)
    %add3A_345 = arith.constant 0 : i32
    %add3A_346 = arith.addi %mul3A_2, %add3A_345 : i32
    %dma_start3A_347 = arith.constant 0 : i32
    %dma_start3A_348 = tpu.memref_slice %arg4[%add3A_346, %dma_start3A_347] : memref<8192x384xi32, #tpu.memory_space<hbm>> -> memref<128x384xi32, #tpu.memory_space<hbm>>
    %dma_start3A_349 = arith.constant 0 : i32
    %dma_start3A_350 = tpu.memref_slice %arg4[%add3A_346, %dma_start3A_349] : memref<8192x384xi32, #tpu.memory_space<hbm>> -> memref<128x384xi32, #tpu.memory_space<hbm>>
    tpu.enqueue_dma source(%arg6 : memref<128x384xi32, #tpu.memory_space<vmem>>) target(%dma_start3A_350 : memref<128x384xi32, #tpu.memory_space<hbm>>) target_semaphore(%arg9 : memref<!tpu.dma_semaphore, #tpu.memory_space<semaphore_mem>>)
    %dma_wait3A_351 = arith.constant 1 : i32
    %dma_wait3A_352 = arith.constant 0 : i32
    %dma_wait3A_353 = tpu.memref_slice %arg5[%dma_wait3A_351, %dma_wait3A_352] : memref<2x128xi32, #tpu.memory_space<vmem>> -> memref<1x128xi32, #tpu.memory_space<vmem>>
    %dma_wait3A_354 = tpu.memref_squeeze %dma_wait3A_353 : memref<1x128xi32, #tpu.memory_space<vmem>> -> memref<128xi32, #tpu.memory_space<vmem>>
    %dma_wait3A_355 = arith.constant 0 : i32
    %dma_wait3A_356 = arith.constant 0 : i32
    %dma_wait3A_357 = tpu.memref_slice %arg2[%dma_wait3A_355, %dma_wait3A_356] : memref<32768x384xi32, #tpu.memory_space<hbm>> -> memref<32768x384xi32, #tpu.memory_space<hbm>>
    tpu.wait_indirect_dma semaphore(%arg8 : memref<!tpu.dma_semaphore, #tpu.memory_space<semaphore_mem>>) src(%dma_wait3A_357 : memref<32768x384xi32, #tpu.memory_space<hbm>>) dst(%arg7 : memref<128x384xi32, #tpu.memory_space<vmem>>)
    %add3A_358 = arith.constant 128 : i32
    %add3A_359 = arith.addi %mul3A_2, %add3A_358 : i32
    %dma_start3A_360 = arith.constant 0 : i32
    %dma_start3A_361 = tpu.memref_slice %arg4[%add3A_359, %dma_start3A_360] : memref<8192x384xi32, #tpu.memory_space<hbm>> -> memref<128x384xi32, #tpu.memory_space<hbm>>
    %dma_start3A_362 = arith.constant 0 : i32
    %dma_start3A_363 = tpu.memref_slice %arg4[%add3A_359, %dma_start3A_362] : memref<8192x384xi32, #tpu.memory_space<hbm>> -> memref<128x384xi32, #tpu.memory_space<hbm>>
    tpu.enqueue_dma source(%arg7 : memref<128x384xi32, #tpu.memory_space<vmem>>) target(%dma_start3A_363 : memref<128x384xi32, #tpu.memory_space<hbm>>) target_semaphore(%arg9 : memref<!tpu.dma_semaphore, #tpu.memory_space<semaphore_mem>>)
    %dma_wait3A_364 = arith.constant 0 : i32
    %dma_wait3A_365 = tpu.memref_slice %arg4[%add3A_346, %dma_wait3A_364] : memref<8192x384xi32, #tpu.memory_space<hbm>> -> memref<128x384xi32, #tpu.memory_space<hbm>>
    %dma_wait3A_366 = arith.constant 0 : i32
    %dma_wait3A_367 = tpu.memref_slice %arg4[%add3A_346, %dma_wait3A_366] : memref<8192x384xi32, #tpu.memory_space<hbm>> -> memref<128x384xi32, #tpu.memory_space<hbm>>
    tpu.wait_dma2 semaphore(%arg9 : memref<!tpu.dma_semaphore, #tpu.memory_space<semaphore_mem>>) src(%arg6 : memref<128x384xi32, #tpu.memory_space<vmem>>) dst(%dma_wait3A_367 : memref<128x384xi32, #tpu.memory_space<hbm>>)
    %dma_wait3A_368 = arith.constant 0 : i32
    %dma_wait3A_369 = tpu.memref_slice %arg4[%add3A_359, %dma_wait3A_368] : memref<8192x384xi32, #tpu.memory_space<hbm>> -> memref<128x384xi32, #tpu.memory_space<hbm>>
    %dma_wait3A_370 = arith.constant 0 : i32
    %dma_wait3A_371 = tpu.memref_slice %arg4[%add3A_359, %dma_wait3A_370] : memref<8192x384xi32, #tpu.memory_space<hbm>> -> memref<128x384xi32, #tpu.memory_space<hbm>>
    tpu.wait_dma2 semaphore(%arg9 : memref<!tpu.dma_semaphore, #tpu.memory_space<semaphore_mem>>) src(%arg7 : memref<128x384xi32, #tpu.memory_space<vmem>>) dst(%dma_wait3A_371 : memref<128x384xi32, #tpu.memory_space<hbm>>)
    return
  }
}

module attributes {stable_mosaic.version = 14 : i64} {
  func.func @_scan_body(%arg0: i32, %arg1: i32, %arg2: memref<1x2048x768xf32, #tpu.memory_space<vmem>>, %arg3: memref<1x2048x384xi32, #tpu.memory_space<vmem>>, %arg4: memref<1x768xbf16, #tpu.memory_space<vmem>>) attributes {dimension_semantics = [#tpu.dimension_semantics<arbitrary>, #tpu.dimension_semantics<arbitrary>], iteration_bounds = array<i64: 4, 4>, scalar_prefetch = 0 : i64, scratch_operands = 1 : i64, tpu.core_type = #tpu.core_type<tc>, window_params = [{transform_indices = @transform_0, window_bounds = array<i64: 1, 2048, 768>}, {transform_indices = @transform_1, window_bounds = array<i64: 1, 2048, 384>}]} {
    %eq3A = arith.constant 0 : i32
    %eq3A_0 = arith.cmpi eq, %arg1, %eq3A : i32
    %convert_element_type3A = arith.extui %eq3A_0 : i1 to i32
    %cond3A = arith.constant 0 : i32
    %cond3A_1 = arith.cmpi ne, %convert_element_type3A, %cond3A : i32
    scf.if %cond3A_1 {
      %broadcast_in_dim3A_80 = arith.constant 0xFF80 : bf16
      %broadcast_in_dim3A_81 = vector.broadcast %broadcast_in_dim3A_80 : bf16 to vector<1x768xbf16>
      %swap3A_82 = arith.constant 0 : index
      %swap3A_83 = arith.constant 0 : index
      %swap3A_84 = vector.load %arg4[%swap3A_82, %swap3A_83] : memref<1x768xbf16, #tpu.memory_space<vmem>>, vector<1x768xbf16>
      tpu.vector_store %arg4[%swap3A_82, %swap3A_83], %broadcast_in_dim3A_81 {strides = array<i32>} : memref<1x768xbf16, #tpu.memory_space<vmem>>, vector<1x768xbf16>,
    } else {
    }
    %get3A = arith.constant 0 : index
    %get3A_2 = arith.constant 0 : index
    %get3A_3 = arith.constant 0 : index
    %get3A_4 = vector.load %arg2[%get3A, %get3A_2, %get3A_3] : memref<1x2048x768xf32, #tpu.memory_space<vmem>>, vector<1x2048x768xf32>
    %get3A_5 = vector.shape_cast %get3A_4 : vector<1x2048x768xf32> to vector<2048x768xf32>
    %convert_element_type3A_6 = arith.truncf %get3A_5 : vector<2048x768xf32> to vector<2048x768xbf16>
    %broadcast_in_dim3A = arith.constant 0xFF80 : bf16
    %broadcast_in_dim3A_7 = vector.broadcast %broadcast_in_dim3A : bf16 to vector<1x768xbf16>
    %slice3A = vector.extract_strided_slice %convert_element_type3A_6 {offsets = [0, 0], sizes = [2047, 768], strides = [1, 1]} : vector<2048x768xbf16> to vector<2047x768xbf16>
    %concatenate3A = tpu.concatenate %broadcast_in_dim3A_7, %slice3A in 0 : vector<1x768xbf16>, vector<2047x768xbf16> -> vector<2048x768xbf16>
    %max3A = arith.maximumf %convert_element_type3A_6, %concatenate3A : vector<2048x768xbf16>
    %broadcast_in_dim3A_8 = arith.constant 0xFF80 : bf16
    %broadcast_in_dim3A_9 = vector.broadcast %broadcast_in_dim3A_8 : bf16 to vector<2x768xbf16>
    %slice3A_10 = vector.extract_strided_slice %max3A {offsets = [0, 0], sizes = [2046, 768], strides = [1, 1]} : vector<2048x768xbf16> to vector<2046x768xbf16>
    %concatenate3A_11 = tpu.concatenate %broadcast_in_dim3A_9, %slice3A_10 in 0 : vector<2x768xbf16>, vector<2046x768xbf16> -> vector<2048x768xbf16>
    %max3A_12 = arith.maximumf %max3A, %concatenate3A_11 : vector<2048x768xbf16>
    %broadcast_in_dim3A_13 = arith.constant 0xFF80 : bf16
    %broadcast_in_dim3A_14 = vector.broadcast %broadcast_in_dim3A_13 : bf16 to vector<4x768xbf16>
    %slice3A_15 = vector.extract_strided_slice %max3A_12 {offsets = [0, 0], sizes = [2044, 768], strides = [1, 1]} : vector<2048x768xbf16> to vector<2044x768xbf16>
    %concatenate3A_16 = tpu.concatenate %broadcast_in_dim3A_14, %slice3A_15 in 0 : vector<4x768xbf16>, vector<2044x768xbf16> -> vector<2048x768xbf16>
    %max3A_17 = arith.maximumf %max3A_12, %concatenate3A_16 : vector<2048x768xbf16>
    %broadcast_in_dim3A_18 = arith.constant 0xFF80 : bf16
    %broadcast_in_dim3A_19 = vector.broadcast %broadcast_in_dim3A_18 : bf16 to vector<8x768xbf16>
    %slice3A_20 = vector.extract_strided_slice %max3A_17 {offsets = [0, 0], sizes = [2040, 768], strides = [1, 1]} : vector<2048x768xbf16> to vector<2040x768xbf16>
    %concatenate3A_21 = tpu.concatenate %broadcast_in_dim3A_19, %slice3A_20 in 0 : vector<8x768xbf16>, vector<2040x768xbf16> -> vector<2048x768xbf16>
    %max3A_22 = arith.maximumf %max3A_17, %concatenate3A_21 : vector<2048x768xbf16>
    %broadcast_in_dim3A_23 = arith.constant 0xFF80 : bf16
    %broadcast_in_dim3A_24 = vector.broadcast %broadcast_in_dim3A_23 : bf16 to vector<16x768xbf16>
    %slice3A_25 = vector.extract_strided_slice %max3A_22 {offsets = [0, 0], sizes = [2032, 768], strides = [1, 1]} : vector<2048x768xbf16> to vector<2032x768xbf16>
    %concatenate3A_26 = tpu.concatenate %broadcast_in_dim3A_24, %slice3A_25 in 0 : vector<16x768xbf16>, vector<2032x768xbf16> -> vector<2048x768xbf16>
    %max3A_27 = arith.maximumf %max3A_22, %concatenate3A_26 : vector<2048x768xbf16>
    %broadcast_in_dim3A_28 = arith.constant 0xFF80 : bf16
    %broadcast_in_dim3A_29 = vector.broadcast %broadcast_in_dim3A_28 : bf16 to vector<32x768xbf16>
    %slice3A_30 = vector.extract_strided_slice %max3A_27 {offsets = [0, 0], sizes = [2016, 768], strides = [1, 1]} : vector<2048x768xbf16> to vector<2016x768xbf16>
    %concatenate3A_31 = tpu.concatenate %broadcast_in_dim3A_29, %slice3A_30 in 0 : vector<32x768xbf16>, vector<2016x768xbf16> -> vector<2048x768xbf16>
    %max3A_32 = arith.maximumf %max3A_27, %concatenate3A_31 : vector<2048x768xbf16>
    %broadcast_in_dim3A_33 = arith.constant 0xFF80 : bf16
    %broadcast_in_dim3A_34 = vector.broadcast %broadcast_in_dim3A_33 : bf16 to vector<64x768xbf16>
    %slice3A_35 = vector.extract_strided_slice %max3A_32 {offsets = [0, 0], sizes = [1984, 768], strides = [1, 1]} : vector<2048x768xbf16> to vector<1984x768xbf16>
    %concatenate3A_36 = tpu.concatenate %broadcast_in_dim3A_34, %slice3A_35 in 0 : vector<64x768xbf16>, vector<1984x768xbf16> -> vector<2048x768xbf16>
    %max3A_37 = arith.maximumf %max3A_32, %concatenate3A_36 : vector<2048x768xbf16>
    %broadcast_in_dim3A_38 = arith.constant 0xFF80 : bf16
    %broadcast_in_dim3A_39 = vector.broadcast %broadcast_in_dim3A_38 : bf16 to vector<128x768xbf16>
    %slice3A_40 = vector.extract_strided_slice %max3A_37 {offsets = [0, 0], sizes = [1920, 768], strides = [1, 1]} : vector<2048x768xbf16> to vector<1920x768xbf16>
    %concatenate3A_41 = tpu.concatenate %broadcast_in_dim3A_39, %slice3A_40 in 0 : vector<128x768xbf16>, vector<1920x768xbf16> -> vector<2048x768xbf16>
    %max3A_42 = arith.maximumf %max3A_37, %concatenate3A_41 : vector<2048x768xbf16>
    %broadcast_in_dim3A_43 = arith.constant 0xFF80 : bf16
    %broadcast_in_dim3A_44 = vector.broadcast %broadcast_in_dim3A_43 : bf16 to vector<256x768xbf16>
    %slice3A_45 = vector.extract_strided_slice %max3A_42 {offsets = [0, 0], sizes = [1792, 768], strides = [1, 1]} : vector<2048x768xbf16> to vector<1792x768xbf16>
    %concatenate3A_46 = tpu.concatenate %broadcast_in_dim3A_44, %slice3A_45 in 0 : vector<256x768xbf16>, vector<1792x768xbf16> -> vector<2048x768xbf16>
    %max3A_47 = arith.maximumf %max3A_42, %concatenate3A_46 : vector<2048x768xbf16>
    %broadcast_in_dim3A_48 = arith.constant 0xFF80 : bf16
    %broadcast_in_dim3A_49 = vector.broadcast %broadcast_in_dim3A_48 : bf16 to vector<512x768xbf16>
    %slice3A_50 = vector.extract_strided_slice %max3A_47 {offsets = [0, 0], sizes = [1536, 768], strides = [1, 1]} : vector<2048x768xbf16> to vector<1536x768xbf16>
    %concatenate3A_51 = tpu.concatenate %broadcast_in_dim3A_49, %slice3A_50 in 0 : vector<512x768xbf16>, vector<1536x768xbf16> -> vector<2048x768xbf16>
    %max3A_52 = arith.maximumf %max3A_47, %concatenate3A_51 : vector<2048x768xbf16>
    %broadcast_in_dim3A_53 = arith.constant 0xFF80 : bf16
    %broadcast_in_dim3A_54 = vector.broadcast %broadcast_in_dim3A_53 : bf16 to vector<1024x768xbf16>
    %slice3A_55 = vector.extract_strided_slice %max3A_52 {offsets = [0, 0], sizes = [1024, 768], strides = [1, 1]} : vector<2048x768xbf16> to vector<1024x768xbf16>
    %concatenate3A_56 = tpu.concatenate %broadcast_in_dim3A_54, %slice3A_55 in 0 : vector<1024x768xbf16>, vector<1024x768xbf16> -> vector<2048x768xbf16>
    %max3A_57 = arith.maximumf %max3A_52, %concatenate3A_56 : vector<2048x768xbf16>
    %get3A_58 = arith.constant 0 : index
    %get3A_59 = arith.constant 0 : index
    %get3A_60 = vector.load %arg4[%get3A_58, %get3A_59] : memref<1x768xbf16, #tpu.memory_space<vmem>>, vector<1x768xbf16>
    %max3A_61 = vector.broadcast %get3A_60 : vector<1x768xbf16> to vector<2048x768xbf16>
    %max3A_62 = arith.maximumf %max3A_57, %max3A_61 : vector<2048x768xbf16>
    %slice3A_63 = vector.extract_strided_slice %max3A_62 {offsets = [2047, 0], sizes = [1, 768], strides = [1, 1]} : vector<2048x768xbf16> to vector<1x768xbf16>
    %swap3A = arith.constant 0 : index
    %swap3A_64 = arith.constant 0 : index
    %swap3A_65 = vector.load %arg4[%swap3A, %swap3A_64] : memref<1x768xbf16, #tpu.memory_space<vmem>>, vector<1x768xbf16>
    tpu.vector_store %arg4[%swap3A, %swap3A_64], %slice3A_63 {strides = array<i32>} : memref<1x768xbf16, #tpu.memory_space<vmem>>, vector<1x768xbf16>,
    %slice3A_66 = vector.extract_strided_slice %max3A_62 {offsets = [0, 0], sizes = [2048, 384], strides = [1, 1]} : vector<2048x768xbf16> to vector<2048x384xbf16>
    %bitcast_convert_type3A = tpu.bitcast %slice3A_66 : vector<2048x384xbf16> -> vector<2048x384xi16>
    %convert_element_type3A_67 = arith.extui %bitcast_convert_type3A : vector<2048x384xi16> to vector<2048x384xi32>
    %slice3A_68 = vector.extract_strided_slice %max3A_62 {offsets = [0, 384], sizes = [2048, 384], strides = [1, 1]} : vector<2048x768xbf16> to vector<2048x384xbf16>
    %bitcast_convert_type3A_69 = tpu.bitcast %slice3A_68 : vector<2048x384xbf16> -> vector<2048x384xi16>
    %convert_element_type3A_70 = arith.extui %bitcast_convert_type3A_69 : vector<2048x384xi16> to vector<2048x384xi32>
    %shift_left3A = arith.constant 16 : i32
    %shift_left3A_71 = vector.broadcast %shift_left3A : i32 to vector<2048x384xi32>
    %shift_left3A_72 = arith.shli %convert_element_type3A_70, %shift_left3A_71 : vector<2048x384xi32>
    %or3A = arith.ori %convert_element_type3A_67, %shift_left3A_72 : vector<2048x384xi32>
    %bitcast_convert_type3A_73 = tpu.bitcast %or3A : vector<2048x384xi32> -> vector<2048x384xi32>
    %swap3A_74 = arith.constant 0 : index
    %swap3A_75 = arith.constant 0 : index
    %swap3A_76 = arith.constant 0 : index
    %swap3A_77 = vector.load %arg3[%swap3A_74, %swap3A_75, %swap3A_76] : memref<1x2048x384xi32, #tpu.memory_space<vmem>>, vector<1x2048x384xi32>
    %swap3A_78 = vector.shape_cast %swap3A_77 : vector<1x2048x384xi32> to vector<2048x384xi32>
    %swap3A_79 = vector.shape_cast %bitcast_convert_type3A_73 : vector<2048x384xi32> to vector<1x2048x384xi32>
    tpu.vector_store %arg3[%swap3A_74, %swap3A_75, %swap3A_76], %swap3A_79 {strides = array<i32>} : memref<1x2048x384xi32, #tpu.memory_space<vmem>>, vector<1x2048x384xi32>,
    return
  }
  func.func @transform_0(%arg0: i32, %arg1: i32) -> (i32, i32, i32) {
    %c0_i32 = arith.constant 0 : i32
    %c0_i32_0 = arith.constant 0 : i32
    return %arg0, %arg1, %c0_i32 : i32, i32, i32
  }
  func.func @transform_1(%arg0: i32, %arg1: i32) -> (i32, i32, i32) {
    %c0_i32 = arith.constant 0 : i32
    %c0_i32_0 = arith.constant 0 : i32
    return %arg0, %arg1, %c0_i32 : i32, i32, i32
  }
}

module attributes {stable_mosaic.version = 14 : i64} {
  func.func @_mix_body(%arg0: i32, %arg1: memref<4096x384xi32, #tpu.memory_space<vmem>>, %arg2: memref<4096x32xf32, #tpu.memory_space<vmem>>, %arg3: memref<32x768xf32, #tpu.memory_space<vmem>>, %arg4: memref<4096x768xf32, #tpu.memory_space<vmem>>) attributes {dimension_semantics = [#tpu.dimension_semantics<arbitrary>], iteration_bounds = array<i64: 2>, scalar_prefetch = 0 : i64, scratch_operands = 0 : i64, tpu.core_type = #tpu.core_type<tc>, window_params = [{transform_indices = @transform_0, window_bounds = array<i64: 4096, 384>}, {transform_indices = @transform_1, window_bounds = array<i64: 4096, 32>}, {pipeline_mode = #tpu.pipeline_mode<synchronous>, transform_indices = @transform_2, window_bounds = array<i64: 32, 768>}, {transform_indices = @transform_3, window_bounds = array<i64: 4096, 768>}]} {
    %get3A = arith.constant 0 : index
    %get3A_0 = arith.constant 0 : index
    %get3A_1 = vector.load %arg1[%get3A, %get3A_0] : memref<4096x384xi32, #tpu.memory_space<vmem>>, vector<4096x384xi32>
    %bitcast_convert_type3A = tpu.bitcast %get3A_1 : vector<4096x384xi32> -> vector<4096x384xi32>
    %shift_left3A = arith.constant 16 : i32
    %shift_left3A_2 = vector.broadcast %shift_left3A : i32 to vector<4096x384xi32>
    %shift_left3A_3 = arith.shli %bitcast_convert_type3A, %shift_left3A_2 : vector<4096x384xi32>
    %bitcast_convert_type3A_4 = tpu.bitcast %shift_left3A_3 : vector<4096x384xi32> -> vector<4096x384xf32>
    %and3A = arith.constant -65536 : i32
    %and3A_5 = vector.broadcast %and3A : i32 to vector<4096x384xi32>
    %and3A_6 = arith.andi %bitcast_convert_type3A, %and3A_5 : vector<4096x384xi32>
    %bitcast_convert_type3A_7 = tpu.bitcast %and3A_6 : vector<4096x384xi32> -> vector<4096x384xf32>
    %get3A_8 = arith.constant 0 : index
    %get3A_9 = arith.constant 0 : index
    %get3A_10 = vector.load %arg2[%get3A_8, %get3A_9] : memref<4096x32xf32, #tpu.memory_space<vmem>>, vector<4096x32xf32>
    %get3A_11 = arith.constant 0 : index
    %get3A_12 = arith.constant 0 : index
    %get3A_13 = vector.load %arg3[%get3A_11, %get3A_12] : memref<32x768xf32, #tpu.memory_space<vmem>>, vector<32x768xf32>
    %dot_general3A = arith.constant dense<0.000000e+00> : vector<4096x768xf32>
    %dot_general3A_14 = tpu.matmul %get3A_10, %get3A_13, %dot_general3A {dimension_numbers = #tpu.dot_dimension_numbers<[1], [0], [0], [1], [0, 0, 1, 1], [], []>, transpose_lhs_hint = false} : vector<4096x32xf32>, vector<32x768xf32>, vector<4096x768xf32> -> vector<4096x768xf32>
    %concatenate3A = tpu.concatenate %bitcast_convert_type3A_4, %bitcast_convert_type3A_7 in 1 : vector<4096x384xf32>, vector<4096x384xf32> -> vector<4096x768xf32>
    %add3A = arith.addf %concatenate3A, %dot_general3A_14 : vector<4096x768xf32>
    %swap3A = arith.constant 0 : index
    %swap3A_15 = arith.constant 0 : index
    %swap3A_16 = vector.load %arg4[%swap3A, %swap3A_15] : memref<4096x768xf32, #tpu.memory_space<vmem>>, vector<4096x768xf32>
    tpu.vector_store %arg4[%swap3A, %swap3A_15], %add3A {strides = array<i32>} : memref<4096x768xf32, #tpu.memory_space<vmem>>, vector<4096x768xf32>,
    return
  }
  func.func @transform_0(%arg0: i32) -> (i32, i32) {
    %c0_i32 = arith.constant 0 : i32
    %c0_i32_0 = arith.constant 0 : i32
    return %arg0, %c0_i32 : i32, i32
  }
  func.func @transform_1(%arg0: i32) -> (i32, i32) {
    %c0_i32 = arith.constant 0 : i32
    %c0_i32_0 = arith.constant 0 : i32
    return %arg0, %c0_i32 : i32, i32
  }
  func.func @transform_2(%arg0: i32) -> (i32, i32) {
    %c0_i32 = arith.constant 0 : i32
    %c0_i32_0 = arith.constant 0 : i32
    %c0_i32_1 = arith.constant 0 : i32
    return %c0_i32, %c0_i32_0 : i32, i32
  }
  func.func @transform_3(%arg0: i32) -> (i32, i32) {
    %c0_i32 = arith.constant 0 : i32
    %c0_i32_0 = arith.constant 0 : i32
    return %arg0, %c0_i32 : i32, i32
  }
}

</mosaic_0001>

<sc_bundles>
// kernel: kernel.5.cloned.1.call-start
scs
__scs_entry_jumppad:
0x0: {  	(pc) =	sbr.rel $0x88, $3  }
0x1: {  	(tag) =	ssettag $0x0;
	lr =	simm.s32 $0x1  }
0x2: {  	[smem:$0x3F9D] =	sst lr;
	_ =	strace $0xD0000000  }
0x3: {  	_ = 	snop  }
0x4: {  	_ = 	snop  }
0x5: {  	_ = 	snop  }
0x6: {  	_ = 	snop  }
0x7: {  	_ = 	snop  }
__scs_overlays_trampoline_lowered:
0x8: {  	[smem:$0x3FAC] =	sst s0  }
0x9: {  	[smem:$0x3FAD] =	sst s1  }
0xa: {  	[smem:$0x3FAE] =	sst s2  }
0xb: {  	[smem:$0x3FAF] =	sst s3  }
0xc: {  	[smem:$0x3FB0] =	sst s4  }
0xd: {  	[smem:$0x3FB1] =	sst s5  }
0xe: {  	[smem:$0x3FB2] =	sst s6  }
0xf: {  	[smem:$0x3FB3] =	sst s7  }
0x10: {  	[smem:$0x3FB4] =	sst s8  }
0x11: {  	[smem:$0x3FB5] =	sst s9;
	s0 =	simm.s32 @!p0 $0x0  }
0x12: {  	s1 =	sld [smem:$0x3F9B];
	s0 =	simm.s32 @p0 $0x1  }
0x13: {  	[smem:$0x3FB6] =	sst s0;
	s0 =	simm.s32 @!p1 $0x0  }
0x14: {  	s2 =	sld [smem:$0x3F9A];
	s0 =	simm.s32 @p1 $0x1  }
0x15: {  	[smem:$0x3FB7] =	sst s0;
	s0 =	simm.s32 @!p2 $0x0  }
0x16: {  	s3 =	sld [smem:$0x3FDB];
	s0 =	simm.s32 @p2 $0x1  }
0x17: {  	s4 =	simm.s32 $0x1BF5;
	[smem:$0x3FB9] =	sst s0  }
0x18: {  	s0 =	sld [smem:$0x3F9C];
	_ =	swait.ge [sflag:s4], $0x0  }
0x19: {  	s7 =	sld [smem:$0x3F9D]  }
0x1a: {  	s8 =	sadd.s32 $0xFFFFE003, lr  }
0x1b: {  	s9 =	sadd.s32 $0xFFFFFEF7, lr;
	s5 =	simm.s32 $0xFFFFFFFF;
	p2 =	slt.u32 s8, $0xFFFFF086  }
0x1c: {  	p1 =	slt.u32 s9, $0xF7A;
	s5 =	simm.s32 @!p2 $0x0  }
0x1d: {  	s5 =	simm.s32 @p1 $0x1;
	p0 =	seq.s32 s7, s2  }
0x1e: {  	s7 =	smul.u32 @!p0 $0xF7A, s2;
	p2 =	seq.s32 @!p0 s5, $0x0  }
0x1f: {  	s9 =	smul.u32 $0xF7A, s1;
	s8 =	simm.s32 @!p0 $0x1BF5;
	p2 =	por !p2, p0  }
0x20: {  	[sflag:s8] =	ssyncset.s32 @!p0 $0xFFFFF086;
	s6 =	sadd.s32 @!p0 s3, s7;
	s7 =	simm.s32 @!p0 $0x108  }
0x21: {  	s3 =	sadd.s32 s3, s9;
	s6 =	sadd.s32 @!p0 $0x88, s6;
	s7 =	simm.s32 @p2 $0x1082  }
0x22: {  	[simem:s7], [sflag:s8] =	dma.local @!p0 [hbm:s6], $0xF7A  }
0x23: {  	s9 =	sor.u32 $0xD0000000, s2;
	s6 =	simm.s32 $0x108;
	_ =	swait.ge @!p0 [sflag:s8], $0x0  }
0x24: {  	s3 =	sadd.s32 $0x88, s3;
	s6 =	simm.s32 @!p1 $0x1082;
	[sflag:s4] =	ssyncset.s32 $0xFFFFF086  }
0x25: {  	[simem:s6], [sflag:s4] =	dma.local [hbm:s3], $0xF7A  }
0x26: {  	[smem:$0x3F9D] =	sst s1;
	(tag) =	ssettag s2;
	_ =	strace s9  }
0x27: {  	s1 =	sld [smem:$0x3FAD]  }
0x28: {  	s2 =	sld [smem:$0x3FAE]  }
0x29: {  	s4 =	sld [smem:$0x3FB0]  }
0x2a: {  	p0 =	seq.s32 s5, $0x0;
	s5 =	sld [smem:$0x3FB1]  }
0x2b: {  	s6 =	sld [smem:$0x3FB2]  }
0x2c: {  	s7 =	sld [smem:$0x3FB3]  }
0x2d: {  	s3 =	simm.s32 $0x108;
	s8 =	sld [smem:$0x3FB4]  }
0x2e: {  	s3 =	simm.s32 @!p0 $0x1082;
	s9 =	sld [smem:$0x3FB5]  }
0x2f: {  	lr =	sadd.s32 s0, s3;
	s0 =	sld [smem:$0x3FAC]  }
0x30: {  	s3 =	sld [smem:$0x3FAF]  }
0x31: {  	[smem:$0x3FB8] =	sst s10  }
0x32: {  	s10 =	sld [smem:$0x3FB6];
	_ =	sdelay $0x3  }
0x33: {  	p0 =	seq.s32 s10, $0x1;
	s10 =	sld [smem:$0x3FB8];
	_ =	sdelay $0x3  }
0x34: {  	[smem:$0x3FB8] =	sst s10  }
0x35: {  	s10 =	sld [smem:$0x3FB7];
	_ =	sdelay $0x3  }
0x36: {  	p1 =	seq.s32 s10, $0x1;
	s10 =	sld [smem:$0x3FB8];
	_ =	sdelay $0x3  }
0x37: {  	[smem:$0x3FB8] =	sst s10  }
0x38: {  	s10 =	sld [smem:$0x3FB9]  }
0x39: {  	_ = 	snop;
	(pc) =	sbr.ind lr, $3  }
0x3a: {  	_ = 	snop  }
0x3b: {  	_ = 	snop  }
0x3c: {  	p2 =	seq.s32 s10, $0x1;
	s10 =	sld [smem:$0x3FB8]  }
0x3d: {  	_ =	shalt  }
0x3e: {  	_ =	shalt  }
0x3f: {  	_ =	shalt  }
0x40: {  	_ =	shalt  }
0x41: {  	_ =	shalt  }
0x42: {  	_ =	shalt  }
0x43: {  	_ =	shalt  }
0x44: {  	_ =	shalt  }
0x45: {  	_ =	shalt  }
0x46: {  	_ =	shalt  }
0x47: {  	_ =	shalt  }
0x48: {  	_ =	shalt  }
0x49: {  	_ =	shalt  }
0x4a: {  	_ =	shalt  }
0x4b: {  	_ =	shalt  }
0x4c: {  	_ =	shalt  }
0x4d: {  	_ =	shalt  }
0x4e: {  	_ =	shalt  }
0x4f: {  	_ =	shalt  }
0x50: {  	_ =	shalt  }
0x51: {  	_ =	shalt  }
0x52: {  	_ =	shalt  }
0x53: {  	_ =	shalt  }
0x54: {  	_ =	shalt  }
0x55: {  	_ =	shalt  }
0x56: {  	_ =	shalt  }
0x57: {  	_ =	shalt  }
0x58: {  	_ =	shalt  }
0x59: {  	_ =	shalt  }
0x5a: {  	_ =	shalt  }
0x5b: {  	_ =	shalt  }
0x5c: {  	_ =	shalt  }
0x5d: {  	_ =	shalt  }
0x5e: {  	_ =	shalt  }
0x5f: {  	_ =	shalt  }
0x60: {  	_ =	shalt  }
0x61: {  	_ =	shalt  }
0x62: {  	_ =	shalt  }
0x63: {  	_ =	shalt  }
0x64: {  	_ =	shalt  }
0x65: {  	_ =	shalt  }
0x66: {  	_ =	shalt  }
0x67: {  	_ =	shalt  }
0x68: {  	_ =	shalt  }
0x69: {  	_ =	shalt  }
0x6a: {  	_ =	shalt  }
0x6b: {  	_ =	shalt  }
0x6c: {  	_ =	shalt  }
0x6d: {  	_ =	shalt  }
0x6e: {  	_ =	shalt  }
0x6f: {  	_ =	shalt  }
0x70: {  	_ =	shalt  }
0x71: {  	_ =	shalt  }
0x72: {  	_ =	shalt  }
0x73: {  	_ =	shalt  }
0x74: {  	_ =	shalt  }
0x75: {  	_ =	shalt  }
0x76: {  	_ =	shalt  }
0x77: {  	_ =	shalt  }
0x78: {  	_ =	shalt  }
0x79: {  	_ =	shalt  }
0x7a: {  	_ =	shalt  }
0x7b: {  	_ =	shalt  }
0x7c: {  	_ =	shalt  }
0x7d: {  	_ =	shalt  }
0x7e: {  	_ =	shalt  }
0x7f: {  	_ =	shalt  }
0x80: {  	_ =	shalt  }
0x81: {  	_ =	shalt  }
0x82: {  	_ =	shalt  }
0x83: {  	_ =	shalt  }
0x84: {  	_ =	shalt  }
0x85: {  	_ =	shalt  }
0x86: {  	_ =	shalt  }
0x87: {  	_ =	shalt  }
.Lfunc_end0:
.L_simem_size_0:
called_computation_lowered:
.L_overlay_start_0:
0x88: {  	s2 =	sld [smem:$0x3FD9]  }
0x89: {  	s3 =	sld [smem:$0x3FFE];
	_ =	sdelay $0x1  }
0x8a: {  	s1 =	srdreg.scid  }
0x8b: {  	s0 =	sand.u32 $0x1, s1  }
0x8c: {  	s17 =	sshll.u32 s0, $0xA;
	s2 =	sadd.s32 s3, s2  }
0x8d: {  	s2 =	sadd.s32 s2, s17  }
0x8e: {  	[smem:$0x3FC4] =	sst s2  }
0x8f: {  	_ = 	snop  }
0x90: {  	s2 =	sld [smem:$0x3FD0];
	(tm) =	ssettm $0x1  }
0x91: {  	s18 =	sld [smem:$0x3FFB];
	_ =	sdelay $0x3  }
0x92: {  	_ =	strace s18  }
0x93: {  	s3 =	sld [smem:$0x3FFC];
	_ =	sdelay $0x3  }
0x94: {  	_ =	strace s3  }
0x95: {  	s3 =	sld [smem:$0x3FFD];
	_ =	sdelay $0x3  }
0x96: {  	_ =	strace s3  }
0x97: {  	_ =	strace $0x8FFFFFFF  }
0x98: {  	s19 =	sld [smem:$0x3FDB];
	_ =	sdelay $0x1  }
0x99: {  	s4 =	simm.s32 $_scs_section_size  }
0x9a: {  	s5 =	simm.s32 $_size__tile_overlayer_lowered;
	s6 =	simm.s32 $_tile_overlayer_lowered  }
0x9b: {  	s22 =	simm.s32 $0x1BFF;
	s21 =	sshll.u32 s6, $0x1;
	s3 =	sadd.s32 s4, s19  }
0x9c: {  	s7 =	simm.s32 $0x0;
	s20 =	sshll.u32 s5, $0x1;
	s5 =	sadd.s32 s21, s3  }
0x9d: {  	[timem:s7], [sflag:s22] =	dma.local [hbm:s5], s20  }
0x9e: {  	_ =	swait.ge [sflag:s22], s20  }
0x9f: {  	s4 =	ssub.s32 $0x0, s20;
	[sflag:s22] =	ssyncset.done $0x0  }
0xa0: {  	[sflag:s22] =	ssyncadd.s32 s4;
	_ =	sdelay $0x1  }
0xa1: {  	s23 =	simm.s32 $0x1B8B  }
0xa2: {  	_ =	swait.ge [sflag:s23], $0x1  }
0xa3: {  	[sflag:s23] =	ssyncset.done $0x0  }
0xa4: {  	s25 =	simm.s32 $0x1B8E;
	s24 =	sld [smem:$0x3FFE];
	[sflag:s23] =	ssyncadd.s32 $0xFFFFFFFF  }
0xa5: {  	s26 =	simm.s32 $execute0_lowered;
	[smem:$0x3FD2] =	sst s25  }
0xa6: {  	s5 =	sshll.u32 s26, $0x1;
	_ =	strace $0x80000046;
	[dreg:$0x1] =	wrdreg $0xFFFFFFFF  }
0xa7: {  	s28 =	simm.s32 $_size_execute0_lowered;
	s3 =	sadd.s32 s3, s5;
	[dreg:$0x0] =	wrdreg $0x0  }
0xa8: {  	s5 =	sshll.u32 s28, $0x1;
	[dreg:$0x2] =	wrdreg s3  }
0xa9: {  	[dreg:$0x3] =	wrdreg s5  }
0xaa: {  	[dreg:$0x4] =	wrdreg $0xC0  }
0xab: {  	_ =	task [dreg:s7], $0x5FFFF  }
0xac: {  	[dreg:$0x1] =	wrdreg $0xFFFFFFFF  }
0xad: {  	[dreg:$0x0] =	wrdreg $0x60  }
0xae: {  	[dreg:$0x2] =	wrdreg s24  }
0xaf: {  	[dreg:$0x3] =	wrdreg s2  }
0xb0: {  	[dreg:$0x4] =	wrdreg $0x9  }
0xb1: {  	_ =	task.clear_ibuf [dreg:s7], $0x5FFFF;
	_ =	strace $0x90000046  }
0xb2: {  	s29 =	simm.s32 $0x9;
	_ =	strace $0x80000048  }
0xb3: {  	_ =	swait.ge [sflag:s29], $0x1  }
0xb4: {  	[sflag:s29] =	ssyncadd.s32 $0xFFFFFFFF  }
0xb5: {  	_ =	strace $0x90000048  }
0xb6: {  	_ =	sfence  }
0xb7: {  	s30 =	sld [smem:$0x0];
	_ =	sdelay $0x2  }
0xb8: {  	s31 =	sshll.u32 s1, $0xD;
	s1 =	sshrl.u32 s1, $0x2  }
0xb9: {  	s3 =	sand.u32 $0x4000, s31;
	s1 =	sadd.s32 s1, s30  }
0xba: {  	s0 =	sor.u32 s3, s0;
	s1 =	sshll.u32 s1, $0x11  }
0xbb: {  	s0 =	sor.u32 s1, s0  }
0xbc: {  	s0 =	sadd.s32 $0x8F2B, s0  }
0xbd: {  	[sflag:s0] =	ssyncadd.remote.s32 $0x1  }
0xbe: {  	_ =	sfence.sel $0xFFFF  }
0xbf: {  	[dreg:$0x0] =	wrdreg $0xFFFFFFFF;
	(pc) =	sbr.abs _section_cstart, $3  }
0xc0: {  	[dreg:$0x1] =	wrdreg $0xFFFFFFFF  }
0xc1: {  	_ =	task.clear_ibuf [dreg:s7], $0x2FFFF;
	_ =	strace $0x9FFFFFFF  }
0xc2: {  	(tm) =	ssettm $0x7FFFFFFF  }
0xc3: {  	_ =	shalt  }
tec
execute0_lowered:
.L_overlay_start_1:
0x0: {  	(tag) =	ssettag $0x1  }
0x1: {  	s0 =	rddreg [dreg:$0x0]  }
0x2: {  	s3 =	rddreg [dreg:$0x1];
	s2 =	simm.s32 $0x0  }
0x3: {  	s26 =	simm.s32 $0x80;
	[smem:$0x7FF] =	sst s2  }
0x4: {  	s9 =	simm.s32 $0x2100;
	_ =	strace $0x80000047;
	[dreg:$0x7] =	wrdreg s26  }
0x5: {  	s10 =	simm.s32 $0x2500;
	[dreg:$0xc] =	wrdreg s9  }
0x6: {  	s11 =	simm.s32 $0x2D00;
	[dreg:$0xd] =	wrdreg s10  }
0x7: {  	s12 =	simm.s32 $0x3100;
	[dreg:$0xe] =	wrdreg s11  }
0x8: {  	s13 =	simm.s32 $0x3900;
	[dreg:$0xf] =	wrdreg s12  }
0x9: {  	s14 =	simm.s32 $0x3D00;
	[dreg:$0x10] =	wrdreg s13  }
0xa: {  	s15 =	simm.s32 $0x4500;
	[dreg:$0x11] =	wrdreg s14  }
0xb: {  	s16 =	simm.s32 $0x4900;
	[dreg:$0x12] =	wrdreg s15  }
0xc: {  	s17 =	simm.s32 $0x5100;
	[dreg:$0x13] =	wrdreg s16  }
0xd: {  	s18 =	simm.s32 $0x5500;
	[dreg:$0x14] =	wrdreg s17  }
0xe: {  	s19 =	simm.s32 $0x5D00;
	[dreg:$0x15] =	wrdreg s18  }
0xf: {  	s20 =	simm.s32 $0x6100;
	[dreg:$0x16] =	wrdreg s19  }
0x10: {  	s21 =	simm.s32 $0x6900;
	[dreg:$0x17] =	wrdreg s20  }
0x11: {  	s22 =	simm.s32 $0x6D00;
	[dreg:$0x18] =	wrdreg s21  }
0x12: {  	s23 =	simm.s32 $0x7500;
	[dreg:$0x19] =	wrdreg s22  }
0x13: {  	s24 =	simm.s32 $0x7900;
	[dreg:$0x1a] =	wrdreg s23  }
0x14: {  	s25 =	simm.s32 $0x8100;
	[dreg:$0x1b] =	wrdreg s24  }
0x15: {  	[dreg:$0x1c] =	wrdreg s25;
	s26 =	simm.s32 $0x8500  }
0x16: {  	s9 =	simm.s32 $0xA500;
	[dreg:$0x1d] =	wrdreg s26  }
0x17: {  	s4 =	srdreg.scid;
	s10 =	simm.s32 $0xA900;
	[smem:$0x7EF] =	sst s9  }
0x18: {  	s1 =	stileid.u32;
	s11 =	simm.s32 $0xB100;
	[smem:$0x7F0] =	sst s10  }
0x19: {  	s28 =	simm.s32 $0x17100;
	s12 =	simm.s32 $0xB500;
	[smem:$0x7F1] =	sst s11  }
0x1a: {  	s29 =	simm.s32 $0x17500;
	s13 =	simm.s32 $0xBD00;
	[smem:$0x7F2] =	sst s12  }
0x1b: {  	s30 =	simm.s32 $0x17D00;
	s14 =	simm.s32 $0xC900;
	[smem:$0x7F3] =	sst s13  }
0x1c: {  	s31 =	simm.s32 $0x1;
	s16 =	simm.s32 $0xCD00;
	[smem:$0x7F4] =	sst s14  }
0x1d: {  	s4 =	sand.u32 $0x1, s4;
	s17 =	simm.s32 $0xD500;
	[smem:$0x7F5] =	sst s16  }
0x1e: {  	s5 =	sshll.u32 s1, $0x1;
	s19 =	simm.s32 $0xD900;
	[smem:$0x7F6] =	sst s17  }
0x1f: {  	s6 =	sadd.s32 $0x180C00, s0;
	s20 =	simm.s32 $0xE100;
	[smem:$0x7F7] =	sst s19  }
0x20: {  	s5 =	sor.u32 s4, s5;
	s21 =	simm.s32 $0xE500;
	[smem:$0x7F8] =	sst s20  }
0x21: {  	s4 =	ssub.s32 $0x2, s4;
	s22 =	simm.s32 $0xED00;
	[smem:$0x7F9] =	sst s21  }
0x22: {  	s18 =	sshll.u32 s1, $0xB;
	s23 =	simm.s32 $0xF100;
	[smem:$0x7FA] =	sst s22  }
0x23: {  	s24 =	simm.s32 $0xF900;
	s25 =	simm.s32 $0xFD00;
	[smem:$0x7FB] =	sst s23  }
0x24: {  	s7 =	sshll.u32 s5, $0x5;
	s5 =	smul.u32 $0x3000, s5;
	[smem:$0x7FC] =	sst s24  }
0x25: {  	s15 =	sshrl.u32 s4, $0x1;
	s26 =	sand.u32 $0x6000, s18;
	[smem:$0x7FD] =	sst s25  }
0x26: {  	s10 =	simm.s32 $0x10900;
	s11 =	simm.s32 $0x11100;
	s12 =	simm.s32 $0x11500  }
0x27: {  	s13 =	simm.s32 $0x11D00;
	s14 =	simm.s32 $0x12100;
	s16 =	simm.s32 $0x12D00  }
0x28: {  	s17 =	simm.s32 $0x13500;
	s8 =	sadd.s32 s6, s7;
	s7 =	sor.u32 $0x10, s7  }
0x29: {  	s18 =	simm.s32 $0x13900;
	[dreg:$0x3] =	wrdreg s8;
	s6 =	sadd.s32 s6, s7  }
0x2a: {  	s19 =	simm.s32 $0x14100;
	s5 =	sadd.s32 s3, s5;
	[dreg:$0x4] =	wrdreg s6  }
0x2b: {  	s20 =	simm.s32 $0x14500;
	s8 =	simm.s32 $0x1900;
	[dreg:$0x5] =	wrdreg s5  }
0x2c: {  	s21 =	simm.s32 $0x14D00;
	s5 =	simm.s32 $0x900;
	[dreg:$0xb] =	wrdreg s8  }
0x2d: {  	s7 =	smul.u32 $0x180, s7;
	s6 =	simm.s32 $0xD00;
	[dreg:$0x8] =	wrdreg s5  }
0x2e: {  	s22 =	simm.s32 $0x15100;
	s8 =	simm.s32 $0x9D00;
	[dreg:$0x9] =	wrdreg s6  }
0x2f: {  	s23 =	simm.s32 $0x15900;
	s3 =	sadd.s32 s3, s7;
	[smem:$0x7EE] =	sst s8  }
0x30: {  	s24 =	simm.s32 $0x15D00;
	s7 =	simm.s32 $0x1500;
	[dreg:$0x6] =	wrdreg s3  }
0x31: {  	s25 =	simm.s32 $0x16500;
	s5 =	simm.s32 $0x8D00;
	[dreg:$0xa] =	wrdreg s7  }
0x32: {  	v0 =	vmov s26;
	s26 =	simm.s32 $0x16900;
	s6 =	simm.s32 $0x9100;
	[dreg:$0x1e] =	wrdreg s5  }
0x33: {  	s8 =	simm.s32 $0xC100;
	[dreg:$0x1f] =	wrdreg s6;
	s7 =	simm.s32 $0x9900  }
0x34: {  	v3 =	vlaneseq.u32;
	s3 =	sadd.s32 $0xC00, s0;
	s6 =	ssub.s32 s4, s15;
	s4 =	sadd.s32 $0xD00, s0  }
0x35: {  	vm0 =	vmmov $0xffff;
	vm1 =	vmmov $0xff;
	v2 =	vshrl.u32 v3, $0x3;
	s15 =	simm.s32 $0x12900;
	s0 =	simm.s32 $0x2;
	[smem:$0x7ED] =	sst s7  }
0x36: {  	v1 =	vand.u32 $0x7, v3;
	v3 =	vor.u32 $0x8, v3;
	v2 =	vmul.u32 $0x8, v2;
	s5 =	smax.u32 s6, $0x1;
	s6 =	simm.s32 $0x3;
	s7 =	simm.s32 $0x100  }
.LBB2_1:
0x37: {  	s1 =	rddreg [dreg:$0x3]  }
0x38: {  	[tilespmem:s2], [sflag:$0x3] =	stream.linear.gather [hbm4b:s1+s2], $0x80, $0x38;
	[tilespmem:$0x18100] =	vst v63  }
0x39: {  	_ =	swait.ge [sflag:s6], $0x80  }
0x3a: {  	s1 =	rddreg [dreg:$0x4];
	[sflag:s6] =	ssyncset.done $0x0  }
0x3b: {  	s9 =	rddreg [dreg:$0x7];
	[sflag:s6] =	ssyncadd.s32 $0xFFFFFF80  }
0x3c: {  	[tilespmem:s9], [sflag:$0x3] =	stream.linear.gather [hbm4b:s1+s2], $0x80, $0x38;
	[tilespmem:$0x18100] =	vst v63  }
0x3d: {  	_ =	swait.ge [sflag:s6], $0x80  }
0x3e: {  	[sflag:s6] =	ssyncset.done $0x0  }
0x3f: {  	[sflag:s6] =	ssyncadd.s32 $0xFFFFFF80  }
0x40: {  	v4 =	vld [tilespmem:$0x0];
	_ =	sdelay $0x1  }
0x41: {  	v5 =	vld [tilespmem:$0x10]  }
0x42: {  	v6 =	vld [tilespmem:$0x20]  }
0x43: {  	v7 =	vld [tilespmem:$0x30]  }
0x44: {  	vm2 =	vgt.s32 v4, $0x0  }
0x45: {  	v8 =	vld [tilespmem:$0x40];
	v4 =	vnsel vm2, $0x0, v4  }
0x46: {  	vm2 =	vgt.s32 v5, $0x0;
	v4 =	vmin.u32 v4, $0x1FFF  }
0x47: {  	v9 =	vld [tilespmem:$0x50];
	v5 =	vnsel vm2, $0x0, v5;
	vm2 =	vgt.s32 v6, $0x0;
	v10 =	vor.u32 v0, v4  }
0x48: {  	v11 =	vld [tilespmem:$0x60];
	v5 =	vmin.u32 v5, $0x1FFF;
	v6 =	vnsel vm2, $0x0, v6;
	vm2 =	vgt.s32 v7, $0x0  }
0x49: {  	v12 =	vld [tilespmem:$0x70];
	v4 =	vand.u32 $0x7, v4;
	v5 =	vor.u32 v0, v5;
	v6 =	vmin.u32 v6, $0x1FFF  }
0x4a: {  	v7 =	vnsel vm2, $0x0, v7;
	vm2 =	vgt.s32 v8, $0x0;
	[tilespmem:$0x0] =	vst v10;
	v10 =	vshrl.u32 v10, $0x3  }
0x4b: {  	v13 =	vld [tilespmem:$0x80];
	v6 =	vor.u32 v0, v6;
	v7 =	vmin.u32 v7, $0x1FFF;
	v8 =	vnsel vm2, $0x0, v8  }
0x4c: {  	vm2 =	vgt.s32 v9, $0x0;
	v10 =	vmul.u32 $0x18, v10;
	v7 =	vor.u32 v0, v7  }
0x4d: {  	v14 =	vld [tilespmem:$0x90];
	v8 =	vmin.u32 v8, $0x1FFF;
	v9 =	vnsel vm2, $0x0, v9;
	vm2 =	vgt.s32 v11, $0x0  }
0x4e: {  	v15 =	vld [tilespmem:$0xA0];
	v8 =	vor.u32 v0, v8;
	v11 =	vnsel vm2, $0x0, v11;
	vm2 =	vgt.s32 v12, $0x0  }
0x4f: {  	v16 =	vld [tilespmem:$0xB0];
	v9 =	vmin.u32 v9, $0x1FFF;
	v4 =	vor.u32 v4, v10;
	v12 =	vnsel vm2, $0x0, v12  }
0x50: {  	[tilespmem:$0x10] =	vst v5;
	vm2 =	vgt.s32 v13, $0x0;
	v5 =	vor.u32 v0, v9;
	v47 =	vmin.u32 v11, $0x1FFF  }
0x51: {  	v50 =	vld [tilespmem:$0xC0];
	[tilespmem:$0x20] =	vst v6;
	v10 =	vperm.xlane v4, v1;
	v48 =	vnsel vm2, $0x0, v13;
	v9 =	vor.u32 v0, v47  }
0x52: {  	[tilespmem:$0x30] =	vst v7;
	v12 =	vmin.u32 v12, $0x1FFF;
	vm2 =	vgt.s32 v14, $0x0;
	v11 =	vmin.u32 v48, $0x1FFF  }
0x53: {  	v52 =	vld [tilespmem:$0xD0];
	[tilespmem:$0x40] =	vst v8;
	v49 =	vor.u32 v0, v12;
	v51 =	vnsel vm2, $0x0, v14;
	vm2 =	vgt.s32 v15, $0x0  }
0x54: {  	v55 =	vld [tilespmem:$0xE0];
	[tilespmem:$0x50] =	vst v5;
	v62 =	vadd.s32 v2, v10;
	v53 =	vnsel vm2, $0x0, v15;
	vm2 =	vgt.s32 v16, $0x0  }
0x55: {  	v56 =	vld [tilespmem:$0xF0];
	[tilespmem:$0x60] =	vst v9;
	v11 =	vor.u32 v0, v11;
	v5 =	vmin.u32 v51, $0x1FFF;
	v54 =	vnsel vm2, $0x0, v16  }
0x56: {  	[tilespmem:$0x70] =	vst v49;
	v5 =	vor.u32 v0, v5;
	v8 =	vmin.u32 v53, $0x1FFF;
	vm2 =	vgt.s32 v50, $0x0  }
0x57: {  	[tilespmem:$0x80] =	vst v11;
	v57 =	vor.u32 v0, v8;
	v7 =	vmin.u32 v54, $0x1FFF;
	v58 =	vnsel vm2, $0x0, v50  }
0x58: {  	vm2 =	vgt.s32 v52, $0x0;
	[tilespmem:$0x90] =	vst v5;
	v7 =	vor.u32 v0, v7;
	v5 =	vmin.u32 v58, $0x1FFF  }
0x59: {  	v59 =	vnsel vm2, $0x0, v52;
	[tilespmem:$0xA0] =	vst v57;
	vm2 =	vgt.s32 v55, $0x0;
	v5 =	vor.u32 v0, v5  }
0x5a: {  	v60 =	vmin.u32 v59, $0x1FFF;
	[tilespmem:$0xB0] =	vst v7;
	v61 =	vnsel vm2, $0x0, v55;
	vm2 =	vgt.s32 v56, $0x0  }
0x5b: {  	[tilespmem:$0xC0] =	vst v5;
	v5 =	vnsel vm2, $0x0, v56;
	v6 =	vor.u32 v0, v60;
	v7 =	vmin.u32 v61, $0x1FFF  }
0x5c: {  	v4 =	vperm.xlane v4, v3;
	[tilespmem:$0xD0] =	vst v6;
	v63 =	vor.u32 v0, v7;
	v5 =	vmin.u32 v5, $0x1FFF  }
0x5d: {  	[tilespmem:$0xE0] =	vst v63;
	v5 =	vor.u32 v0, v5  }
0x5e: {  	v4 =	vadd.s32 v2, v4;
	[tilespmem:$0xF0] =	vst v5  }
0x5f: {  	[tilespmem:s7], [sflag:$0x1] =	stream.indirect_vreg.gather [hbm4b:s3+s2], $0x80, v62, vm0, $0xb8;
	[tilespmem:$0x18100] =	vst v63  }
0x60: {  	s1 =	rddreg [dreg:$0x8]  }
0x61: {  	[tilespmem:s1], [sflag:$0x1] =	stream.indirect_vreg.gather [hbm4b:s4+s2], $0x80, v62, vm1, $0xb8;
	[tilespmem:$0x18100] =	vst v63  }
0x62: {  	s9 =	rddreg [dreg:$0x9]  }
0x63: {  	[tilespmem:s9], [sflag:$0x1] =	stream.indirect_vreg.gather [hbm4b:s3+s2], $0x80, v4, vm0, $0xb8;
	[tilespmem:$0x18100] =	vst v63  }
0x64: {  	s1 =	rddreg [dreg:$0xa]  }
0x65: {  	[tilespmem:s1], [sflag:$0x1] =	stream.indirect_vreg.gather [hbm4b:s4+s2], $0x80, v4, vm1, $0xb8;
	[tilespmem:$0x18100] =	vst v63  }
0x66: {  	v4 =	vld [tilespmem:$0x10];
	_ =	sdelay $0x4  }
0x67: {  	v5 =	vshrl.u32 v4, $0x3  }
0x68: {  	v5 =	vmul.u32 $0x18, v5  }
0x69: {  	v4 =	vand.u32 $0x7, v4  }
0x6a: {  	v4 =	vor.u32 v4, v5  }
0x6b: {  	v5 =	vperm.xlane v4, v1;
	_ =	sdelay $0x1  }
0x6c: {  	v5 =	vadd.s32 v2, v5;
	_ =	sdelay $0x1  }
0x6d: {  	v4 =	vperm.xlane v4, v3;
	_ =	sdelay $0x1  }
0x6e: {  	s1 =	rddreg [dreg:$0xb];
	v4 =	vadd.s32 v2, v4  }
0x6f: {  	[tilespmem:s1], [sflag:$0x1] =	stream.indirect_vreg.gather [hbm4b:s3+s2], $0x80, v5, vm0, $0xb8;
	[tilespmem:$0x18100] =	vst v63  }
0x70: {  	s9 =	rddreg [dreg:$0xc]  }
0x71: {  	[tilespmem:s9], [sflag:$0x1] =	stream.indirect_vreg.gather [hbm4b:s4+s2], $0x80, v5, vm1, $0xb8;
	[tilespmem:$0x18100] =	vst v63  }
0x72: {  	s1 =	rddreg [dreg:$0xd]  }
0x73: {  	[tilespmem:s1], [sflag:$0x1] =	stream.indirect_vreg.gather [hbm4b:s3+s2], $0x80, v4, vm0, $0xb8;
	[tilespmem:$0x18100] =	vst v63  }
0x74: {  	s9 =	rddreg [dreg:$0xe]  }
0x75: {  	[tilespmem:s9], [sflag:$0x1] =	stream.indirect_vreg.gather [hbm4b:s4+s2], $0x80, v4, vm1, $0xb8;
	[tilespmem:$0x18100] =	vst v63  }
0x76: {  	v4 =	vld [tilespmem:$0x20];
	_ =	sdelay $0x4  }
0x77: {  	v5 =	vshrl.u32 v4, $0x3  }
0x78: {  	v5 =	vmul.u32 $0x18, v5  }
0x79: {  	v4 =	vand.u32 $0x7, v4  }
0x7a: {  	v4 =	vor.u32 v4, v5  }
0x7b: {  	v5 =	vperm.xlane v4, v1;
	_ =	sdelay $0x1  }
0x7c: {  	v5 =	vadd.s32 v2, v5;
	_ =	sdelay $0x1  }
0x7d: {  	v4 =	vperm.xlane v4, v3;
	_ =	sdelay $0x1  }
0x7e: {  	s1 =	rddreg [dreg:$0xf];
	v4 =	vadd.s32 v2, v4  }
0x7f: {  	[tilespmem:s1], [sflag:$0x1] =	stream.indirect_vreg.gather [hbm4b:s3+s2], $0x80, v5, vm0, $0xb8;
	[tilespmem:$0x18100] =	vst v63  }
0x80: {  	s9 =	rddreg [dreg:$0x10]  }
0x81: {  	[tilespmem:s9], [sflag:$0x1] =	stream.indirect_vreg.gather [hbm4b:s4+s2], $0x80, v5, vm1, $0xb8;
	[tilespmem:$0x18100] =	vst v63  }
0x82: {  	s1 =	rddreg [dreg:$0x11]  }
0x83: {  	[tilespmem:s1], [sflag:$0x1] =	stream.indirect_vreg.gather [hbm4b:s3+s2], $0x80, v4, vm0, $0xb8;
	[tilespmem:$0x18100] =	vst v63  }
0x84: {  	s9 =	rddreg [dreg:$0x12]  }
0x85: {  	[tilespmem:s9], [sflag:$0x1] =	stream.indirect_vreg.gather [hbm4b:s4+s2], $0x80, v4, vm1, $0xb8;
	[tilespmem:$0x18100] =	vst v63  }
0x86: {  	v4 =	vld [tilespmem:$0x30];
	_ =	sdelay $0x4  }
0x87: {  	v5 =	vshrl.u32 v4, $0x3  }
0x88: {  	v5 =	vmul.u32 $0x18, v5  }
0x89: {  	v4 =	vand.u32 $0x7, v4  }
0x8a: {  	v4 =	vor.u32 v4, v5  }
0x8b: {  	v5 =	vperm.xlane v4, v1;
	_ =	sdelay $0x1  }
0x8c: {  	v5 =	vadd.s32 v2, v5;
	_ =	sdelay $0x1  }
0x8d: {  	v4 =	vperm.xlane v4, v3;
	_ =	sdelay $0x1  }
0x8e: {  	s1 =	rddreg [dreg:$0x13];
	v4 =	vadd.s32 v2, v4  }
0x8f: {  	[tilespmem:s1], [sflag:$0x1] =	stream.indirect_vreg.gather [hbm4b:s3+s2], $0x80, v5, vm0, $0xb8;
	[tilespmem:$0x18100] =	vst v63  }
0x90: {  	s9 =	rddreg [dreg:$0x14]  }
0x91: {  	[tilespmem:s9], [sflag:$0x1] =	stream.indirect_vreg.gather [hbm4b:s4+s2], $0x80, v5, vm1, $0xb8;
	[tilespmem:$0x18100] =	vst v63  }
0x92: {  	s1 =	rddreg [dreg:$0x15]  }
0x93: {  	[tilespmem:s1], [sflag:$0x1] =	stream.indirect_vreg.gather [hbm4b:s3+s2], $0x80, v4, vm0, $0xb8;
	[tilespmem:$0x18100] =	vst v63  }
0x94: {  	s9 =	rddreg [dreg:$0x16]  }
0x95: {  	[tilespmem:s9], [sflag:$0x1] =	stream.indirect_vreg.gather [hbm4b:s4+s2], $0x80, v4, vm1, $0xb8;
	[tilespmem:$0x18100] =	vst v63  }
0x96: {  	v4 =	vld [tilespmem:$0x40];
	_ =	sdelay $0x4  }
0x97: {  	v5 =	vshrl.u32 v4, $0x3  }
0x98: {  	v5 =	vmul.u32 $0x18, v5  }
0x99: {  	v4 =	vand.u32 $0x7, v4  }
0x9a: {  	v4 =	vor.u32 v4, v5  }
0x9b: {  	v5 =	vperm.xlane v4, v1;
	_ =	sdelay $0x1  }
0x9c: {  	v5 =	vadd.s32 v2, v5;
	_ =	sdelay $0x1  }
0x9d: {  	v4 =	vperm.xlane v4, v3;
	_ =	sdelay $0x1  }
0x9e: {  	s1 =	rddreg [dreg:$0x17];
	v4 =	vadd.s32 v2, v4  }
0x9f: {  	[tilespmem:s1], [sflag:$0x1] =	stream.indirect_vreg.gather [hbm4b:s3+s2], $0x80, v5, vm0, $0xb8;
	[tilespmem:$0x18100] =	vst v63  }
0xa0: {  	s9 =	rddreg [dreg:$0x18]  }
0xa1: {  	[tilespmem:s9], [sflag:$0x1] =	stream.indirect_vreg.gather [hbm4b:s4+s2], $0x80, v5, vm1, $0xb8;
	[tilespmem:$0x18100] =	vst v63  }
0xa2: {  	s1 =	rddreg [dreg:$0x19]  }
0xa3: {  	[tilespmem:s1], [sflag:$0x1] =	stream.indirect_vreg.gather [hbm4b:s3+s2], $0x80, v4, vm0, $0xb8;
	[tilespmem:$0x18100] =	vst v63  }
0xa4: {  	s9 =	rddreg [dreg:$0x1a]  }
0xa5: {  	[tilespmem:s9], [sflag:$0x1] =	stream.indirect_vreg.gather [hbm4b:s4+s2], $0x80, v4, vm1, $0xb8;
	[tilespmem:$0x18100] =	vst v63  }
0xa6: {  	v4 =	vld [tilespmem:$0x50];
	_ =	sdelay $0x4  }
0xa7: {  	v5 =	vshrl.u32 v4, $0x3  }
0xa8: {  	v5 =	vmul.u32 $0x18, v5  }
0xa9: {  	v4 =	vand.u32 $0x7, v4  }
0xaa: {  	v4 =	vor.u32 v4, v5  }
0xab: {  	v5 =	vperm.xlane v4, v1;
	_ =	sdelay $0x1  }
0xac: {  	v5 =	vadd.s32 v2, v5;
	_ =	sdelay $0x1  }
0xad: {  	v4 =	vperm.xlane v4, v3;
	_ =	sdelay $0x1  }
0xae: {  	s1 =	rddreg [dreg:$0x1b];
	v4 =	vadd.s32 v2, v4  }
0xaf: {  	[tilespmem:s1], [sflag:$0x1] =	stream.indirect_vreg.gather [hbm4b:s3+s2], $0x80, v5, vm0, $0xb8;
	[tilespmem:$0x18100] =	vst v63  }
0xb0: {  	s9 =	rddreg [dreg:$0x1c]  }
0xb1: {  	[tilespmem:s9], [sflag:$0x1] =	stream.indirect_vreg.gather [hbm4b:s4+s2], $0x80, v5, vm1, $0xb8;
	[tilespmem:$0x18100] =	vst v63  }
0xb2: {  	s1 =	rddreg [dreg:$0x1d]  }
0xb3: {  	[tilespmem:s1], [sflag:$0x1] =	stream.indirect_vreg.gather [hbm4b:s3+s2], $0x80, v4, vm0, $0xb8;
	[tilespmem:$0x18100] =	vst v63  }
0xb4: {  	s9 =	rddreg [dreg:$0x1e]  }
0xb5: {  	[tilespmem:s9], [sflag:$0x1] =	stream.indirect_vreg.gather [hbm4b:s4+s2], $0x80, v4, vm1, $0xb8;
	[tilespmem:$0x18100] =	vst v63  }
0xb6: {  	v4 =	vld [tilespmem:$0x60];
	_ =	sdelay $0x4  }
0xb7: {  	v5 =	vshrl.u32 v4, $0x3  }
0xb8: {  	v5 =	vmul.u32 $0x18, v5  }
0xb9: {  	v4 =	vand.u32 $0x7, v4  }
0xba: {  	v4 =	vor.u32 v4, v5  }
0xbb: {  	v5 =	vperm.xlane v4, v1;
	_ =	sdelay $0x1  }
0xbc: {  	v5 =	vadd.s32 v2, v5;
	_ =	sdelay $0x1  }
0xbd: {  	v4 =	vperm.xlane v4, v3  }
0xbe: {  	s1 =	rddreg [dreg:$0x1f]  }
0xbf: {  	s9 =	sld [smem:$0x7ED];
	v4 =	vadd.s32 v2, v4  }
0xc0: {  	[tilespmem:s1], [sflag:$0x1] =	stream.indirect_vreg.gather [hbm4b:s3+s2], $0x80, v5, vm0, $0xb8;
	[tilespmem:$0x18100] =	vst v63  }
0xc1: {  	s1 =	sld [smem:$0x7EE]  }
0xc2: {  	[tilespmem:s9], [sflag:$0x1] =	stream.indirect_vreg.gather [hbm4b:s4+s2], $0x80, v5, vm1, $0xb8;
	[tilespmem:$0x18100] =	vst v63  }
0xc3: {  	s9 =	sld [smem:$0x7EF]  }
0xc4: {  	[tilespmem:s1], [sflag:$0x1] =	stream.indirect_vreg.gather [hbm4b:s3+s2], $0x80, v4, vm0, $0xb8;
	[tilespmem:$0x18100] =	vst v63  }
0xc5: {  	_ = 	snop  }
0xc6: {  	[tilespmem:s9], [sflag:$0x1] =	stream.indirect_vreg.gather [hbm4b:s4+s2], $0x80, v4, vm1, $0xb8;
	[tilespmem:$0x18100] =	vst v63  }
0xc7: {  	v4 =	vld [tilespmem:$0x70];
	_ =	sdelay $0x4  }
0xc8: {  	v5 =	vshrl.u32 v4, $0x3  }
0xc9: {  	v5 =	vmul.u32 $0x18, v5  }
0xca: {  	v4 =	vand.u32 $0x7, v4  }
0xcb: {  	v4 =	vor.u32 v4, v5  }
0xcc: {  	v5 =	vperm.xlane v4, v1;
	_ =	sdelay $0x1  }
0xcd: {  	v5 =	vadd.s32 v2, v5;
	_ =	sdelay $0x1  }
0xce: {  	s1 =	sld [smem:$0x7F0];
	v4 =	vperm.xlane v4, v3;
	_ =	sdelay $0x1  }
0xcf: {  	s9 =	sld [smem:$0x7F1];
	v4 =	vadd.s32 v2, v4  }
0xd0: {  	[tilespmem:s1], [sflag:$0x1] =	stream.indirect_vreg.gather [hbm4b:s3+s2], $0x80, v5, vm0, $0xb8;
	[tilespmem:$0x18100] =	vst v63  }
0xd1: {  	s1 =	sld [smem:$0x7F2]  }
0xd2: {  	[tilespmem:s9], [sflag:$0x1] =	stream.indirect_vreg.gather [hbm4b:s4+s2], $0x80, v5, vm1, $0xb8;
	[tilespmem:$0x18100] =	vst v63  }
0xd3: {  	s9 =	sld [smem:$0x7F3]  }
0xd4: {  	[tilespmem:s1], [sflag:$0x1] =	stream.indirect_vreg.gather [hbm4b:s3+s2], $0x80, v4, vm0, $0xb8;
	[tilespmem:$0x18100] =	vst v63  }
0xd5: {  	_ = 	snop  }
0xd6: {  	[tilespmem:s9], [sflag:$0x1] =	stream.indirect_vreg.gather [hbm4b:s4+s2], $0x80, v4, vm1, $0xb8;
	[tilespmem:$0x18100] =	vst v63  }
0xd7: {  	v4 =	vld [tilespmem:$0x80];
	_ =	sdelay $0x4  }
0xd8: {  	v5 =	vshrl.u32 v4, $0x3  }
0xd9: {  	v5 =	vmul.u32 $0x18, v5  }
0xda: {  	v4 =	vand.u32 $0x7, v4  }
0xdb: {  	v4 =	vor.u32 v4, v5  }
0xdc: {  	v5 =	vperm.xlane v4, v1;
	_ =	sdelay $0x1  }
0xdd: {  	v5 =	vadd.s32 v2, v5;
	_ =	sdelay $0x1  }
0xde: {  	v4 =	vperm.xlane v4, v3;
	_ =	sdelay $0x1  }
0xdf: {  	s1 =	sld [smem:$0x7F4];
	v4 =	vadd.s32 v2, v4  }
0xe0: {  	[tilespmem:s8], [sflag:$0x1] =	stream.indirect_vreg.gather [hbm4b:s3+s2], $0x80, v5, vm0, $0xb8;
	[tilespmem:$0x18100] =	vst v63  }
0xe1: {  	s9 =	sld [smem:$0x7F5]  }
0xe2: {  	[tilespmem:s1], [sflag:$0x1] =	stream.indirect_vreg.gather [hbm4b:s4+s2], $0x80, v5, vm1, $0xb8;
	[tilespmem:$0x18100] =	vst v63  }
0xe3: {  	s1 =	sld [smem:$0x7F6]  }
0xe4: {  	[tilespmem:s9], [sflag:$0x1] =	stream.indirect_vreg.gather [hbm4b:s3+s2], $0x80, v4, vm0, $0xb8;
	[tilespmem:$0x18100] =	vst v63  }
0xe5: {  	_ = 	snop  }
0xe6: {  	[tilespmem:s1], [sflag:$0x1] =	stream.indirect_vreg.gather [hbm4b:s4+s2], $0x80, v4, vm1, $0xb8;
	[tilespmem:$0x18100] =	vst v63  }
0xe7: {  	v4 =	vld [tilespmem:$0x90];
	_ =	sdelay $0x4  }
0xe8: {  	v5 =	vshrl.u32 v4, $0x3  }
0xe9: {  	v5 =	vmul.u32 $0x18, v5  }
0xea: {  	v4 =	vand.u32 $0x7, v4  }
0xeb: {  	v4 =	vor.u32 v4, v5  }
0xec: {  	v5 =	vperm.xlane v4, v1;
	_ =	sdelay $0x1  }
0xed: {  	v5 =	vadd.s32 v2, v5;
	_ =	sdelay $0x1  }
0xee: {  	s1 =	sld [smem:$0x7F7];
	v4 =	vperm.xlane v4, v3;
	_ =	sdelay $0x1  }
0xef: {  	s9 =	sld [smem:$0x7F8];
	v4 =	vadd.s32 v2, v4  }
0xf0: {  	[tilespmem:s1], [sflag:$0x1] =	stream.indirect_vreg.gather [hbm4b:s3+s2], $0x80, v5, vm0, $0xb8;
	[tilespmem:$0x18100] =	vst v63  }
0xf1: {  	s1 =	sld [smem:$0x7F9]  }
0xf2: {  	[tilespmem:s9], [sflag:$0x1] =	stream.indirect_vreg.gather [hbm4b:s4+s2], $0x80, v5, vm1, $0xb8;
	[tilespmem:$0x18100] =	vst v63  }
0xf3: {  	s9 =	sld [smem:$0x7FA]  }
0xf4: {  	[tilespmem:s1], [sflag:$0x1] =	stream.indirect_vreg.gather [hbm4b:s3+s2], $0x80, v4, vm0, $0xb8;
	[tilespmem:$0x18100] =	vst v63  }
0xf5: {  	_ = 	snop  }
0xf6: {  	[tilespmem:s9], [sflag:$0x1] =	stream.indirect_vreg.gather [hbm4b:s4+s2], $0x80, v4, vm1, $0xb8;
	[tilespmem:$0x18100] =	vst v63  }
0xf7: {  	v4 =	vld [tilespmem:$0xA0];
	_ =	sdelay $0x4  }
0xf8: {  	v5 =	vshrl.u32 v4, $0x3  }
0xf9: {  	v5 =	vmul.u32 $0x18, v5  }
0xfa: {  	v4 =	vand.u32 $0x7, v4  }
0xfb: {  	v4 =	vor.u32 v4, v5  }
0xfc: {  	v5 =	vperm.xlane v4, v1;
	_ =	sdelay $0x1  }
0xfd: {  	v5 =	vadd.s32 v2, v5;
	_ =	sdelay $0x1  }
0xfe: {  	s1 =	sld [smem:$0x7FB];
	v4 =	vperm.xlane v4, v3;
	_ =	sdelay $0x1  }
0xff: {  	s9 =	sld [smem:$0x7FC];
	v4 =	vadd.s32 v2, v4  }
0x100: {  	[tilespmem:s1], [sflag:$0x1] =	stream.indirect_vreg.gather [hbm4b:s3+s2], $0x80, v5, vm0, $0xb8;
	[tilespmem:$0x18100] =	vst v63  }
0x101: {  	s1 =	sld [smem:$0x7FD]  }
0x102: {  	[tilespmem:s9], [sflag:$0x1] =	stream.indirect_vreg.gather [hbm4b:s4+s2], $0x80, v5, vm1, $0xb8;
	[tilespmem:$0x18100] =	vst v63  }
0x103: {  	_ = 	snop  }
0x104: {  	[tilespmem:s1], [sflag:$0x1] =	stream.indirect_vreg.gather [hbm4b:s3+s2], $0x80, v4, vm0, $0xb8;
	[tilespmem:$0x18100] =	vst v63  }
0x105: {  	s9 =	simm.s32 $0x10500  }
0x106: {  	[tilespmem:s9], [sflag:$0x1] =	stream.indirect_vreg.gather [hbm4b:s4+s2], $0x80, v4, vm1, $0xb8;
	[tilespmem:$0x18100] =	vst v63  }
0x107: {  	v4 =	vld [tilespmem:$0xB0];
	_ =	sdelay $0x4  }
0x108: {  	v5 =	vshrl.u32 v4, $0x3  }
0x109: {  	v5 =	vmul.u32 $0x18, v5  }
0x10a: {  	v4 =	vand.u32 $0x7, v4  }
0x10b: {  	v4 =	vor.u32 v4, v5  }
0x10c: {  	v5 =	vperm.xlane v4, v1;
	_ =	sdelay $0x1  }
0x10d: {  	v5 =	vadd.s32 v2, v5;
	_ =	sdelay $0x1  }
0x10e: {  	v4 =	vperm.xlane v4, v3;
	_ =	sdelay $0x1  }
0x10f: {  	v4 =	vadd.s32 v2, v4  }
0x110: {  	[tilespmem:s10], [sflag:$0x1] =	stream.indirect_vreg.gather [hbm4b:s3+s2], $0x80, v5, vm0, $0xb8;
	[tilespmem:$0x18100] =	vst v63  }
0x111: {  	_ = 	snop  }
0x112: {  	[tilespmem:s11], [sflag:$0x1] =	stream.indirect_vreg.gather [hbm4b:s4+s2], $0x80, v5, vm1, $0xb8;
	[tilespmem:$0x18100] =	vst v63  }
0x113: {  	_ = 	snop  }
0x114: {  	[tilespmem:s12], [sflag:$0x1] =	stream.indirect_vreg.gather [hbm4b:s3+s2], $0x80, v4, vm0, $0xb8;
	[tilespmem:$0x18100] =	vst v63  }
0x115: {  	_ = 	snop  }
0x116: {  	[tilespmem:s13], [sflag:$0x1] =	stream.indirect_vreg.gather [hbm4b:s4+s2], $0x80, v4, vm1, $0xb8;
	[tilespmem:$0x18100] =	vst v63  }
0x117: {  	v4 =	vld [tilespmem:$0xC0];
	_ =	sdelay $0x4  }
0x118: {  	v5 =	vshrl.u32 v4, $0x3  }
0x119: {  	v5 =	vmul.u32 $0x18, v5  }
0x11a: {  	v4 =	vand.u32 $0x7, v4  }
0x11b: {  	v4 =	vor.u32 v4, v5  }
0x11c: {  	v5 =	vperm.xlane v4, v1;
	_ =	sdelay $0x1  }
0x11d: {  	v5 =	vadd.s32 v2, v5;
	_ =	sdelay $0x1  }
0x11e: {  	v4 =	vperm.xlane v4, v3;
	_ =	sdelay $0x1  }
0x11f: {  	v4 =	vadd.s32 v2, v4  }
0x120: {  	[tilespmem:s14], [sflag:$0x1] =	stream.indirect_vreg.gather [hbm4b:s3+s2], $0x80, v5, vm0, $0xb8;
	[tilespmem:$0x18100] =	vst v63  }
0x121: {  	_ = 	snop  }
0x122: {  	[tilespmem:s15], [sflag:$0x1] =	stream.indirect_vreg.gather [hbm4b:s4+s2], $0x80, v5, vm1, $0xb8;
	[tilespmem:$0x18100] =	vst v63  }
0x123: {  	_ = 	snop  }
0x124: {  	[tilespmem:s16], [sflag:$0x1] =	stream.indirect_vreg.gather [hbm4b:s3+s2], $0x80, v4, vm0, $0xb8;
	[tilespmem:$0x18100] =	vst v63  }
0x125: {  	_ = 	snop  }
0x126: {  	[tilespmem:s17], [sflag:$0x1] =	stream.indirect_vreg.gather [hbm4b:s4+s2], $0x80, v4, vm1, $0xb8;
	[tilespmem:$0x18100] =	vst v63  }
0x127: {  	v4 =	vld [tilespmem:$0xD0];
	_ =	sdelay $0x4  }
0x128: {  	v5 =	vshrl.u32 v4, $0x3  }
0x129: {  	v5 =	vmul.u32 $0x18, v5  }
0x12a: {  	v4 =	vand.u32 $0x7, v4  }
0x12b: {  	v4 =	vor.u32 v4, v5  }
0x12c: {  	v5 =	vperm.xlane v4, v1;
	_ =	sdelay $0x1  }
0x12d: {  	v5 =	vadd.s32 v2, v5;
	_ =	sdelay $0x1  }
0x12e: {  	v4 =	vperm.xlane v4, v3;
	_ =	sdelay $0x1  }
0x12f: {  	v4 =	vadd.s32 v2, v4  }
0x130: {  	[tilespmem:s18], [sflag:$0x1] =	stream.indirect_vreg.gather [hbm4b:s3+s2], $0x80, v5, vm0, $0xb8;
	[tilespmem:$0x18100] =	vst v63  }
0x131: {  	_ = 	snop  }
0x132: {  	[tilespmem:s19], [sflag:$0x1] =	stream.indirect_vreg.gather [hbm4b:s4+s2], $0x80, v5, vm1, $0xb8;
	[tilespmem:$0x18100] =	vst v63  }
0x133: {  	_ = 	snop  }
0x134: {  	[tilespmem:s20], [sflag:$0x1] =	stream.indirect_vreg.gather [hbm4b:s3+s2], $0x80, v4, vm0, $0xb8;
	[tilespmem:$0x18100] =	vst v63  }
0x135: {  	_ = 	snop  }
0x136: {  	[tilespmem:s21], [sflag:$0x1] =	stream.indirect_vreg.gather [hbm4b:s4+s2], $0x80, v4, vm1, $0xb8;
	[tilespmem:$0x18100] =	vst v63  }
0x137: {  	v4 =	vld [tilespmem:$0xE0];
	_ =	sdelay $0x4  }
0x138: {  	v5 =	vshrl.u32 v4, $0x3  }
0x139: {  	v5 =	vmul.u32 $0x18, v5  }
0x13a: {  	v4 =	vand.u32 $0x7, v4  }
0x13b: {  	v4 =	vor.u32 v4, v5  }
0x13c: {  	v5 =	vperm.xlane v4, v1;
	_ =	sdelay $0x1  }
0x13d: {  	v5 =	vadd.s32 v2, v5;
	_ =	sdelay $0x1  }
0x13e: {  	v4 =	vperm.xlane v4, v3;
	_ =	sdelay $0x1  }
0x13f: {  	v4 =	vadd.s32 v2, v4  }
0x140: {  	[tilespmem:s22], [sflag:$0x1] =	stream.indirect_vreg.gather [hbm4b:s3+s2], $0x80, v5, vm0, $0xb8;
	[tilespmem:$0x18100] =	vst v63  }
0x141: {  	_ = 	snop  }
0x142: {  	[tilespmem:s23], [sflag:$0x1] =	stream.indirect_vreg.gather [hbm4b:s4+s2], $0x80, v5, vm1, $0xb8;
	[tilespmem:$0x18100] =	vst v63  }
0x143: {  	_ = 	snop  }
0x144: {  	[tilespmem:s24], [sflag:$0x1] =	stream.indirect_vreg.gather [hbm4b:s3+s2], $0x80, v4, vm0, $0xb8;
	[tilespmem:$0x18100] =	vst v63  }
0x145: {  	_ = 	snop  }
0x146: {  	[tilespmem:s25], [sflag:$0x1] =	stream.indirect_vreg.gather [hbm4b:s4+s2], $0x80, v4, vm1, $0xb8;
	[tilespmem:$0x18100] =	vst v63  }
0x147: {  	v4 =	vld [tilespmem:$0xF0];
	_ =	sdelay $0x4  }
0x148: {  	v5 =	vshrl.u32 v4, $0x3  }
0x149: {  	v5 =	vmul.u32 $0x18, v5  }
0x14a: {  	v4 =	vand.u32 $0x7, v4  }
0x14b: {  	v4 =	vor.u32 v4, v5  }
0x14c: {  	v5 =	vperm.xlane v4, v1;
	_ =	sdelay $0x1  }
0x14d: {  	v5 =	vadd.s32 v2, v5;
	_ =	sdelay $0x1  }
0x14e: {  	v4 =	vperm.xlane v4, v3;
	_ =	sdelay $0x1  }
0x14f: {  	v4 =	vadd.s32 v2, v4  }
0x150: {  	[tilespmem:s26], [sflag:$0x1] =	stream.indirect_vreg.gather [hbm4b:s3+s2], $0x80, v5, vm0, $0xb8;
	[tilespmem:$0x18100] =	vst v63  }
0x151: {  	_ = 	snop  }
0x152: {  	[tilespmem:s28], [sflag:$0x1] =	stream.indirect_vreg.gather [hbm4b:s4+s2], $0x80, v5, vm1, $0xb8;
	[tilespmem:$0x18100] =	vst v63  }
0x153: {  	_ = 	snop  }
0x154: {  	[tilespmem:s29], [sflag:$0x1] =	stream.indirect_vreg.gather [hbm4b:s3+s2], $0x80, v4, vm0, $0xb8;
	[tilespmem:$0x18100] =	vst v63  }
0x155: {  	_ = 	snop  }
0x156: {  	[tilespmem:s30], [sflag:$0x1] =	stream.indirect_vreg.gather [hbm4b:s4+s2], $0x80, v4, vm1, $0xb8;
	[tilespmem:$0x18100] =	vst v63  }
0x157: {  	_ =	swait.ge [sflag:s31], $0xC000  }
0x158: {  	[sflag:s31] =	ssyncset.done $0x0  }
0x159: {  	s9 =	rddreg [dreg:$0x5];
	[sflag:s31] =	ssyncadd.s32 $0xFFFF4000  }
0x15a: {  	[hbm4b:s9+s2] =	stream.linear.scatter [tilespmem:s7], [sflag:$0x2], $0xC000, $0x38;
	[tilespmem:$0x18100] =	vst v63  }
0x15b: {  	_ =	swait.ge [sflag:s31], $0xC000  }
0x15c: {  	[sflag:s31] =	ssyncset.done $0x0  }
0x15d: {  	s9 =	rddreg [dreg:$0x6];
	[sflag:s31] =	ssyncadd.s32 $0xFFFF4000  }
0x15e: {  	[hbm4b:s9+s2] =	stream.linear.scatter [tilespmem:s8], [sflag:$0x2], $0xC000, $0x38;
	[tilespmem:$0x18100] =	vst v63  }
0x15f: {  	p0 =	sne.s32 s5, $0x1;
	_ =	swait.ge [sflag:s0], $0xC000  }
.Ltmp0:
0x160: {  	[sflag:s0] =	ssyncset.done $0x0;
	(pc) =	sbr.rel @p0 .LBB2_1-.Ltmp0, $4  }
0x161: {  	[sflag:s0] =	ssyncadd.s32 $0xFFFF4000  }
0x162: {  	_ =	swait.ge [sflag:s0], $0xC000  }
0x163: {  	[sflag:s0] =	ssyncset.done $0x0  }
0x164: {  	s5 =	sadd.s32 $0xFFFFFFFF, s5;
	[sflag:s0] =	ssyncadd.s32 $0xFFFF4000  }
0x165: {  	_ =	sfence.sel $0x180000  }
0x166: {  	[bflag:$0x0] =	sbarrier.arrive $0xFFFF  }
0x167: {  	_ =	strace $0x90000047  }
0x168: {  	s0 =	stileid.u32;
	[bflag:$0x2] =	sbarrier.arrive $0xFFFF  }
0x169: {  	p0 =	sne.s32 s0, $0x0;
	s0 =	rddreg [dreg:$0x2]  }
0x16a: {  	s0 =	sadd.s32 @!p0 $0x100000, s0  }
0x16b: {  	[sflag:s0] =	ssyncadd.tile.s32 @!p0 $0x1;
	_ =	shalt  }
.Lfunc_end2:
_tile_overlayer_lowered:
.L_overlay_start_2:
0x16c: {  	(tag) =	ssettag $0x2  }
0x16d: {  	s0 =	rddreg [dreg:$0x0];
	s2 =	stileid.u32  }
0x16e: {  	s1 =	rddreg [dreg:$0x1];
	p0 =	sne.s32 s2, $0x0  }
0x16f: {  	s3 =	rddreg [dreg:$0x2];
	[bflag:$0x3] =	sbarrier.arrive $0xFFFF;
	s2 =	simm.s32 @!p0 $0x1C03  }
0x170: {  	[timem:s3], [sflag:s2] =	dma.local @!p0 [hbm:s0], s1  }
0x171: {  	s0 =	simm.s32 @!p0 $0x3  }
0x172: {  	_ =	swait.ge @!p0 [sflag:s0], s1  }
0x173: {  	s1 =	ssub.s32 @!p0 $0x0, s1;
	[sflag:s0] =	ssyncset.done @!p0 $0x0  }
0x174: {  	[sflag:s0] =	ssyncadd.s32 @!p0 s1  }
0x175: {  	[bflag:$0x3] =	sbarrier.arrive $0xFFFF  }
0x176: {  	_ =	shalt  }

</sc_bundles>
